<compile_context>
chip_gen: v7x
topology: tpu7x:2x2x1
jax: 0.10.2.dev20260603
libtpu: 0.0.44.dev20260713+nightly
codegen_flags: <defaults>
</compile_context>

<pallas_src>
import functools

import jax
import jax.numpy as jnp
from jax import lax
from jax.experimental import pallas as pl
from jax.experimental.pallas import tpu as pltpu
from jax.experimental.pallas import tpu_sc as plsc

MAX_PATH = 5
MAX_VISITS = 1
_NEG_INF = float("-inf")



def _emb_body(L, D, tok_per_w, ids_hbm, emb_hbm, out_hbm, idx_v, rows_v, acc_v,
              sem):
    nc = 2
    wid = lax.axis_index("s") * nc + lax.axis_index("c")
    pltpu.sync_copy(ids_hbm.at[wid], idx_v)

    inv = jnp.float32(1.0) / jnp.float32(L)

    def _fold_tree(vals):
        while len(vals) > 1:
            half = (len(vals) + 1) // 2
            vals = [vals[i] + vals[i + half] if i + half < len(vals)
                    else vals[i] for i in range(half)]
        return vals[0]

    def tok_body(t, _):
        pltpu.async_copy(emb_hbm.at[idx_v.at[t]], rows_v, sem).wait()

        def col_body(c, _):
            acc = None
            for j in range(0, L, 8):
                n = min(8, L - j)
                vals = [rows_v[j + r, pl.ds(16 * c, 16)] for r in range(n)]
                tj = _fold_tree(vals)
                acc = tj if acc is None else acc + tj
            acc_v[pl.ds(16 * c, 16)] = acc * inv
            return 0

        lax.fori_loop(0, D // 16, col_body, 0)
        pltpu.sync_copy(acc_v, out_hbm.at[wid * tok_per_w + t])
        return 0

    lax.fori_loop(0, tok_per_w, tok_body, 0)


def _embed_sc(input_ids, emb):
    B, L = input_ids.shape
    V, D = emb.shape
    nw = 32
    tok_per_w = B // nw
    l_pad = (L + 7) // 8 * 8
    ids = jnp.pad(input_ids.astype(jnp.int32), ((0, 0), (0, l_pad - L)))
    ids = ids.reshape(nw, tok_per_w, l_pad)
    mesh = plsc.VectorSubcoreMesh(core_axis_name="c", subcore_axis_name="s")
    body = functools.partial(_emb_body, L, D, tok_per_w)
    return pl.kernel(
        body,
        out_type=jax.ShapeDtypeStruct((B, D), jnp.float32),
        mesh=mesh,
        scratch_types=[
            pltpu.VMEM((tok_per_w, l_pad), jnp.int32),
            pltpu.VMEM((l_pad, D), jnp.float32),
            pltpu.VMEM((D,), jnp.float32),
            pltpu.SemaphoreType.DMA,
        ],
    )(ids, emb)



def _moe_body(E, x_in, Wr1, br1, Wr2, br2, We1, be1, We2, be2, tags, Wc, bc,
              one, cls_out, ent_out,
              x_s, out_s, visits_s, eidx_s, active_s, ent_s):
    s = pl.program_id(0)
    j = pl.program_id(1)
    B = x_s.shape[0]
    W = visits_s.shape[1]

    @pl.when((s == 0) & (j == 0))
    def _init():
        x_s[...] = x_in[...]
        visits_s[...] = jnp.zeros_like(visits_s)
        active_s[...] = jnp.ones_like(active_s)
        ent_s[0, 0] = 0.0

    @pl.when(j == 0)
    def _router():
        x = x_s[...]
        h = jnp.maximum(
            jnp.dot(x, Wr1[...], preferred_element_type=jnp.float32)
            + br1[...], 0.0)
        logits = (jnp.dot(h, Wr2[...], preferred_element_type=jnp.float32)
                  + br2[...])
        blocked = visits_s[...] >= MAX_VISITS
        logits = jnp.where(blocked, _NEG_INF, logits)
        m = jnp.max(logits, axis=1, keepdims=True)
        ex = jnp.exp(logits - m)
        probs = ex / jnp.sum(ex, axis=1, keepdims=True)
        ent = -jnp.sum(probs * jnp.log(probs + 1e-9), axis=1)
        af = active_s[...][:, 0]
        cnt = jnp.sum(af)
        step_ent = jnp.sum(ent * af) / jnp.maximum(cnt, 1.0)
        ent_s[0, 0] = ent_s[0, 0] + jnp.where(cnt > 0.0, step_ent, 0.0)
        sel = jnp.argmax(logits, axis=1).astype(jnp.int32)
        eidx = jnp.minimum(sel, E - 1)
        upd = (af > 0.0) & (sel != E)
        updf = upd.astype(jnp.float32)
        eidx_s[...] = eidx[:, None]
        active_s[...] = updf[:, None]
        col = lax.broadcasted_iota(jnp.int32, (B, W), 1)
        oh = ((col == eidx[:, None]) & upd[:, None]).astype(jnp.float32)
        visits_s[...] = visits_s[...] + oh
        out_s[...] = jnp.zeros_like(out_s)

    @pl.when(j > 0)
    def _expert():
        e = j - 1
        msk = (eidx_s[...] == e) & (active_s[...] > 0.0)

        @pl.when(jnp.any(msk))
        def _apply():
            D = x_s.shape[1]
            HE = We1.shape[2]
            s1 = one[0, 0]
            HH = HE // 2
            acc2 = None
            for half in range(2):
                hsl = slice(half * HH, (half + 1) * HH)
                acc1 = None
                for j in range(0, D, 128):
                    p = jnp.dot(x_s[:, j:j + 128], We1[0][j:j + 128, hsl],
                                preferred_element_type=jnp.float32) * s1
                    acc1 = p if acc1 is None else acc1 + p
                h1 = jnp.maximum(acc1 + be1[0][:, hsl], 0.0)
                for k in range(0, HH, 256):
                    ka = half * HH + k
                    pr = jnp.dot(h1[:, k:k + 128], We2[0][ka:ka + 128, :],
                                 preferred_element_type=jnp.float32) * s1
                    if k + 128 < HH:
                        pb = jnp.dot(h1[:, k + 128:k + 256],
                                     We2[0][ka + 128:ka + 256, :],
                                     preferred_element_type=jnp.float32) * s1
                        pr = pr + pb
                    acc2 = pr if acc2 is None else acc2 + pr
            o = acc2 + be2[0] + tags[0]
            out_s[...] = jnp.where(msk, o, out_s[...])

        @pl.when(j == E)
        def _finalize():
            xf = jnp.where(active_s[...] > 0.0, out_s[...], x_s[...])
            x_s[...] = xf

            @pl.when(s == MAX_PATH - 1)
            def _emit():
                cls_out[...] = (
                    jnp.dot(xf, Wc[...], preferred_element_type=jnp.float32)
                    + bc[...])
                ent_out[...] = jnp.full((1, 1), ent_s[0, 0], jnp.float32)


def _moe_tc(x, We1, be1, We2, be2, tags, Wr1, br1, Wr2, br2, Wc, bc):
    B, D = x.shape
    E, _, HE = We1.shape
    HR = Wr1.shape[1]
    C = Wc.shape[1]
    W = 16
    Wr2p = jnp.pad(Wr2, ((0, 0), (0, W - (E + 1))))
    br2p = jnp.pad(br2, (0, W - (E + 1)), constant_values=_NEG_INF)

    def expert_map(s, j):
        return (jnp.maximum(j - 1, 0), 0, 0)

    def expert_map2(s, j):
        return (jnp.maximum(j - 1, 0), 0)

    const2 = lambda s, j: (0, 0)
    grid = (MAX_PATH, E + 1)
    cls, ent = pl.pallas_call(
        functools.partial(_moe_body, E),
        grid=grid,
        in_specs=[
            pl.BlockSpec((B, D), const2),
            pl.BlockSpec((D, HR), const2),
            pl.BlockSpec((1, HR), const2),
            pl.BlockSpec((D, W), const2),
            pl.BlockSpec((1, W), const2),
            pl.BlockSpec((1, D, HE), expert_map),
            pl.BlockSpec((1, 1, HE), expert_map),
            pl.BlockSpec((1, HE, D), expert_map),
            pl.BlockSpec((1, 1, D), expert_map),
            pl.BlockSpec((1, 1, D), expert_map),
            pl.BlockSpec((D, C), const2),
            pl.BlockSpec((1, C), const2),
            pl.BlockSpec(memory_space=pltpu.SMEM),
        ],
        out_specs=[
            pl.BlockSpec((B, C), const2),
            pl.BlockSpec((1, 1), const2),
        ],
        out_shape=[
            jax.ShapeDtypeStruct((B, C), jnp.float32),
            jax.ShapeDtypeStruct((1, 1), jnp.float32),
        ],
        scratch_shapes=[
            pltpu.VMEM((B, D), jnp.float32),
            pltpu.VMEM((B, D), jnp.float32),
            pltpu.VMEM((B, W), jnp.float32),
            pltpu.VMEM((B, 1), jnp.int32),
            pltpu.VMEM((B, 1), jnp.float32),
            pltpu.SMEM((1, 1), jnp.float32),
        ],
        compiler_params=pltpu.CompilerParams(
            dimension_semantics=("arbitrary", "arbitrary"),
            vmem_limit_bytes=63 * 1024 * 1024),
    )(x, Wr1, br1[None, :], Wr2p, br2p[None, :], We1, be1[:, None, :], We2,
      be2[:, None, :], tags[:, None, :], Wc, bc[None, :],
      jnp.ones((1, 1), jnp.float32))
    return cls, ent


def kernel(input_ids, emb, We1, be1, We2, be2, tags, Wr1, br1, Wr2, br2, Wc,
           bc):
    x = _embed_sc(input_ids, emb)
    cls, ent = _moe_tc(x, We1, be1, We2, be2, tags, Wr1, br1, Wr2, br2, Wc, bc)
    return cls, jnp.reshape(ent, ())

# --- scband reference (transcript-rebuilt; emitter-appended) ---
"""Pipeline reference for scband-go-emodel-74199855006277 (READ-ONLY COPY).

The authoritative reference and input builder live on the scoring server;
editing this copy changes nothing except your own understanding.
"""

import jax, jax.numpy as jnp
import numpy as np

V = 100000
D = 1024
HE = 2048
HR = 1024
E = 8
C = 16
B = 1024
L = 50
MAX_PATH = 5
MAX_VISITS = 1


def setup_inputs(seed: int = 0):
    key = jax.random.key(seed)
    ks = jax.random.split(key, 8)
    emb = (jax.random.normal(ks[0], (V, D), jnp.float32) * 0.02).at[0].set(0.0)
    We1 = jax.random.normal(ks[1], (E, D, HE), jnp.float32) * (1.0 / np.sqrt(D))
    be1 = jnp.zeros((E, HE), jnp.float32)
    We2 = jax.random.normal(ks[2], (E, HE, D), jnp.float32) * (1.0 / np.sqrt(HE))
    be2 = jnp.zeros((E, D), jnp.float32)
    tags = jax.random.normal(ks[3], (E, D), jnp.float32) * 0.1
    Wr1 = jax.random.normal(ks[4], (D, HR), jnp.float32) * (1.0 / np.sqrt(D))
    br1 = jnp.zeros((HR,), jnp.float32)
    Wr2 = jax.random.normal(ks[5], (HR, E + 1), jnp.float32) * (1.0 / np.sqrt(HR))
    br2 = jnp.zeros((E + 1,), jnp.float32)
    Wc = jax.random.normal(ks[6], (D, C), jnp.float32) * (1.0 / np.sqrt(D))
    bc = jnp.zeros((C,), jnp.float32)
    input_ids = jax.random.randint(ks[7], (B, L), 0, V)
    return {"input_ids": input_ids, "emb": emb, "We1": We1, "be1": be1, "We2": We2, "be2": be2, "tags": tags, "Wr1": Wr1, "br1": br1, "Wr2": Wr2, "br2": br2, "Wc": Wc, "bc": bc}


def _forward(emb, We1, be1, We2, be2, tags, Wr1, br1, Wr2, br2, Wc, bc, input_ids):
    # embedding lookup + mean pool over sequence
    x = jnp.take(emb, input_ids, axis=0).mean(axis=1)  # [B, D]
    bsz = x.shape[0]
    visits = jnp.zeros((bsz, E), jnp.int32)
    active = jnp.ones((bsz,), bool)
    total_entropy = jnp.asarray(0.0, jnp.float32)
    for _ in range(MAX_PATH):
        # routing controller (eval mode: hard argmax decision)
        h = jax.nn.relu(x @ Wr1 + br1)
        logits = h @ Wr2 + br2  # [B, E+1]
        blocked = visits >= MAX_VISITS
        neg_inf = jnp.asarray(-jnp.inf, logits.dtype)
        logits = jnp.concatenate([jnp.where(blocked, neg_inf, logits[:, :E]), logits[:, E:]], axis=1)
        probs = jax.nn.softmax(logits, axis=1)
        ent = -jnp.sum(probs * jnp.log(probs + 1e-9), axis=1)
        af = active.astype(jnp.float32)
        cnt = jnp.sum(af)
        step_ent = jnp.sum(ent * af) / jnp.maximum(cnt, 1.0)
        total_entropy = total_entropy + jnp.where(cnt > 0, step_ent, 0.0)
        sel = jnp.argmax(logits, axis=1)
        terminate = sel == E
        eidx = jnp.minimum(sel, E - 1)
        # per-sample expert application via gathered expert weights
        W1s = We1[eidx]
        b1s = be1[eidx]
        W2s = We2[eidx]
        b2s = be2[eidx]
        tg = tags[eidx]
        h1 = jax.nn.relu(jnp.einsum('bd,bdh->bh', x, W1s) + b1s)
        out = jnp.einsum('bh,bhd->bd', h1, W2s) + b2s + tg
        upd = active & (~terminate)
        x = jnp.where(upd[:, None], out, x)
        visits = visits + jax.nn.one_hot(eidx, E, dtype=jnp.int32) * upd[:, None].astype(jnp.int32)
        active = upd
    cls = x @ Wc + bc
    return cls, total_entropy


def reference(input_ids, emb, We1, be1, We2, be2, tags, Wr1, br1, Wr2, br2, Wc, bc):
    return _forward(emb, We1, be1, We2, be2, tags, Wr1, br1, Wr2, br2, Wc, bc, input_ids)

if __name__ == "__main__":
    import jax
    _d = setup_inputs()
    print(jax.jit(kernel)(*tuple(_d.values())))

</pallas_src>

<mosaic_0001>
#map = affine_map<(d0, d1) -> (0, 0, 0)>
#map1 = affine_map<(d0, d1) -> (0, 0)>
module attributes {stable_mosaic.version = 14 : i64} {
  func.func @_emb_body(%arg0: i32, %arg1: i32, %arg2: memref<32x32x56xi32, #tpu.memory_space<hbm>>, %arg3: memref<100000x1024xf32, #tpu.memory_space<hbm>>, %arg4: memref<1024x1024xf32, #tpu.memory_space<hbm>>, %arg5: memref<32x56xi32, #tpu.memory_space<vmem>>, %arg6: memref<56x1024xf32, #tpu.memory_space<vmem>>, %arg7: memref<1024xf32, #tpu.memory_space<vmem>>, %arg8: memref<!tpu.dma_semaphore, #tpu.memory_space<semaphore_mem>>) attributes {dimension_semantics = [#tpu.dimension_semantics<core_parallel>, #tpu.dimension_semantics<subcore_parallel>], iteration_bounds = array<i64: 2, 16>, scalar_prefetch = 0 : i64, scratch_operands = 4 : i64, tpu.core_type = #tpu.core_type<sc_vector_subcore>, window_params = [{transform_indices = #map}, {transform_indices = #map1}, {transform_indices = #map1}]} {
    %mul3A = arith.constant 2 : i32
    %mul3A_0 = arith.muli %arg1, %mul3A : i32
    %add3A = arith.addi %mul3A_0, %arg0 : i32
    "tpu.region"() ({
      %run_scoped3A = tpu.sem_alloc : memref<!tpu.dma_semaphore, #tpu.memory_space<semaphore_mem>>
      %dma_start3A = arith.constant 0 : i32
      %dma_start3A_9 = arith.constant 0 : i32
      %dma_start3A_10 = tpu.memref_slice %arg2[%add3A, %dma_start3A, %dma_start3A_9] : memref<32x32x56xi32, #tpu.memory_space<hbm>> -> memref<1x32x56xi32, #tpu.memory_space<hbm>>
      %dma_start3A_11 = tpu.memref_squeeze %dma_start3A_10 : memref<1x32x56xi32, #tpu.memory_space<hbm>> -> memref<32x56xi32, #tpu.memory_space<hbm>>
      %dma_start3A_12 = arith.constant 0 : i32
      %dma_start3A_13 = arith.constant 0 : i32
      %dma_start3A_14 = tpu.memref_slice %arg2[%add3A, %dma_start3A_12, %dma_start3A_13] : memref<32x32x56xi32, #tpu.memory_space<hbm>> -> memref<1x32x56xi32, #tpu.memory_space<hbm>>
      %dma_start3A_15 = tpu.memref_squeeze %dma_start3A_14 : memref<1x32x56xi32, #tpu.memory_space<hbm>> -> memref<32x56xi32, #tpu.memory_space<hbm>>
      tpu.enqueue_dma source(%dma_start3A_15 : memref<32x56xi32, #tpu.memory_space<hbm>>) target(%arg5 : memref<32x56xi32, #tpu.memory_space<vmem>>) target_semaphore(%run_scoped3A : memref<!tpu.dma_semaphore, #tpu.memory_space<semaphore_mem>>)
      %dma_wait3A = arith.constant 0 : i32
      %dma_wait3A_16 = arith.constant 0 : i32
      %dma_wait3A_17 = tpu.memref_slice %arg2[%add3A, %dma_wait3A, %dma_wait3A_16] : memref<32x32x56xi32, #tpu.memory_space<hbm>> -> memref<1x32x56xi32, #tpu.memory_space<hbm>>
      %dma_wait3A_18 = tpu.memref_squeeze %dma_wait3A_17 : memref<1x32x56xi32, #tpu.memory_space<hbm>> -> memref<32x56xi32, #tpu.memory_space<hbm>>
      %dma_wait3A_19 = arith.constant 0 : i32
      %dma_wait3A_20 = arith.constant 0 : i32
      %dma_wait3A_21 = tpu.memref_slice %arg2[%add3A, %dma_wait3A_19, %dma_wait3A_20] : memref<32x32x56xi32, #tpu.memory_space<hbm>> -> memref<1x32x56xi32, #tpu.memory_space<hbm>>
      %dma_wait3A_22 = tpu.memref_squeeze %dma_wait3A_21 : memref<1x32x56xi32, #tpu.memory_space<hbm>> -> memref<32x56xi32, #tpu.memory_space<hbm>>
      tpu.wait_dma2 semaphore(%run_scoped3A : memref<!tpu.dma_semaphore, #tpu.memory_space<semaphore_mem>>) src(%dma_wait3A_22 : memref<32x56xi32, #tpu.memory_space<hbm>>) dst(%arg5 : memref<32x56xi32, #tpu.memory_space<vmem>>)
      tpu.yield
    }) : () -> ()
    %div3A = arith.constant 1.000000e+00 : f32
    %div3A_1 = arith.constant 5.000000e+01 : f32
    %div3A_2 = arith.divf %div3A, %div3A_1 : f32
    %scan3A = arith.constant 0 : i32
    %scan3A_3 = arith.constant 0 : i32
    %scan3A_4 = arith.constant 32 : i32
    %scan3A_5 = arith.addi %scan3A_3, %scan3A_4 : i32
    %scan3A_6 = arith.constant 1 : i32
    %scan3A_7 = scf.for %scan3A_9 = %scan3A_3 to %scan3A_5 step %scan3A_6 iter_args(%scan3A_10 = %scan3A) -> (i32)  : i32 {
      %dma_start3A = arith.constant 0 : i32
      %dma_start3A_11 = tpu.memref_slice %arg5[%scan3A_9, %dma_start3A] : memref<32x56xi32, #tpu.memory_space<vmem>> -> memref<1x56xi32, #tpu.memory_space<vmem>>
      %dma_start3A_12 = tpu.memref_squeeze %dma_start3A_11 : memref<1x56xi32, #tpu.memory_space<vmem>> -> memref<56xi32, #tpu.memory_space<vmem>>
      %dma_start3A_13 = arith.constant 0 : i32
      %dma_start3A_14 = arith.constant 0 : i32
      %dma_start3A_15 = tpu.memref_slice %arg3[%dma_start3A_13, %dma_start3A_14] : memref<100000x1024xf32, #tpu.memory_space<hbm>> -> memref<100000x1024xf32, #tpu.memory_space<hbm>>
      tpu.enqueue_indirect_dma source(%dma_start3A_15 : memref<100000x1024xf32, #tpu.memory_space<hbm>>) target(%arg6 : memref<56x1024xf32, #tpu.memory_space<vmem>>) offsets(%dma_start3A_12 : memref<56xi32, #tpu.memory_space<vmem>>) semaphore(%arg8 : memref<!tpu.dma_semaphore, #tpu.memory_space<semaphore_mem>>)
      %dma_wait3A = arith.constant 0 : i32
      %dma_wait3A_16 = tpu.memref_slice %arg5[%scan3A_9, %dma_wait3A] : memref<32x56xi32, #tpu.memory_space<vmem>> -> memref<1x56xi32, #tpu.memory_space<vmem>>
      %dma_wait3A_17 = tpu.memref_squeeze %dma_wait3A_16 : memref<1x56xi32, #tpu.memory_space<vmem>> -> memref<56xi32, #tpu.memory_space<vmem>>
      %dma_wait3A_18 = arith.constant 0 : i32
      %dma_wait3A_19 = arith.constant 0 : i32
      %dma_wait3A_20 = tpu.memref_slice %arg3[%dma_wait3A_18, %dma_wait3A_19] : memref<100000x1024xf32, #tpu.memory_space<hbm>> -> memref<100000x1024xf32, #tpu.memory_space<hbm>>
      tpu.wait_indirect_dma semaphore(%arg8 : memref<!tpu.dma_semaphore, #tpu.memory_space<semaphore_mem>>) src(%dma_wait3A_20 : memref<100000x1024xf32, #tpu.memory_space<hbm>>) dst(%arg6 : memref<56x1024xf32, #tpu.memory_space<vmem>>)
      %scan3A_21 = arith.constant 0 : i32
      %scan3A_22 = arith.constant 0 : i32
      %scan3A_23 = arith.constant 64 : i32
      %scan3A_24 = arith.addi %scan3A_22, %scan3A_23 : i32
      %scan3A_25 = arith.constant 1 : i32
      %scan3A_26 = scf.for %scan3A_32 = %scan3A_22 to %scan3A_24 step %scan3A_25 iter_args(%scan3A_33 = %scan3A_21) -> (i32)  : i32 {
        %mul3A_34 = arith.constant 16 : i32
        %mul3A_35 = arith.muli %mul3A_34, %scan3A_32 : i32
        %get3A = arith.constant 0 : i32
        %get3A_36 = arith.index_cast %get3A : i32 to index
        %get3A_37 = arith.index_cast %mul3A_35 : i32 to index
        %get3A_38 = tpu.vector_load %arg6[%get3A_36, %get3A_37] {strides = array<i32>} : memref<56x1024xf32, #tpu.memory_space<vmem>>, vector<1x16xf32>,
        %get3A_39 = vector.shape_cast %get3A_38 : vector<1x16xf32> to vector<16xf32>
        %mul3A_40 = arith.constant 16 : i32
        %mul3A_41 = arith.muli %mul3A_40, %scan3A_32 : i32
        %get3A_42 = arith.constant 1 : i32
        %get3A_43 = arith.index_cast %get3A_42 : i32 to index
        %get3A_44 = arith.index_cast %mul3A_41 : i32 to index
        %get3A_45 = tpu.vector_load %arg6[%get3A_43, %get3A_44] {strides = array<i32>} : memref<56x1024xf32, #tpu.memory_space<vmem>>, vector<1x16xf32>,
        %get3A_46 = vector.shape_cast %get3A_45 : vector<1x16xf32> to vector<16xf32>
        %mul3A_47 = arith.constant 16 : i32
        %mul3A_48 = arith.muli %mul3A_47, %scan3A_32 : i32
        %get3A_49 = arith.constant 2 : i32
        %get3A_50 = arith.index_cast %get3A_49 : i32 to index
        %get3A_51 = arith.index_cast %mul3A_48 : i32 to index
        %get3A_52 = tpu.vector_load %arg6[%get3A_50, %get3A_51] {strides = array<i32>} : memref<56x1024xf32, #tpu.memory_space<vmem>>, vector<1x16xf32>,
        %get3A_53 = vector.shape_cast %get3A_52 : vector<1x16xf32> to vector<16xf32>
        %mul3A_54 = arith.constant 16 : i32
        %mul3A_55 = arith.muli %mul3A_54, %scan3A_32 : i32
        %get3A_56 = arith.constant 3 : i32
        %get3A_57 = arith.index_cast %get3A_56 : i32 to index
        %get3A_58 = arith.index_cast %mul3A_55 : i32 to index
        %get3A_59 = tpu.vector_load %arg6[%get3A_57, %get3A_58] {strides = array<i32>} : memref<56x1024xf32, #tpu.memory_space<vmem>>, vector<1x16xf32>,
        %get3A_60 = vector.shape_cast %get3A_59 : vector<1x16xf32> to vector<16xf32>
        %mul3A_61 = arith.constant 16 : i32
        %mul3A_62 = arith.muli %mul3A_61, %scan3A_32 : i32
        %get3A_63 = arith.constant 4 : i32
        %get3A_64 = arith.index_cast %get3A_63 : i32 to index
        %get3A_65 = arith.index_cast %mul3A_62 : i32 to index
        %get3A_66 = tpu.vector_load %arg6[%get3A_64, %get3A_65] {strides = array<i32>} : memref<56x1024xf32, #tpu.memory_space<vmem>>, vector<1x16xf32>,
        %get3A_67 = vector.shape_cast %get3A_66 : vector<1x16xf32> to vector<16xf32>
        %mul3A_68 = arith.constant 16 : i32
        %mul3A_69 = arith.muli %mul3A_68, %scan3A_32 : i32
        %get3A_70 = arith.constant 5 : i32
        %get3A_71 = arith.index_cast %get3A_70 : i32 to index
        %get3A_72 = arith.index_cast %mul3A_69 : i32 to index
        %get3A_73 = tpu.vector_load %arg6[%get3A_71, %get3A_72] {strides = array<i32>} : memref<56x1024xf32, #tpu.memory_space<vmem>>, vector<1x16xf32>,
        %get3A_74 = vector.shape_cast %get3A_73 : vector<1x16xf32> to vector<16xf32>
        %mul3A_75 = arith.constant 16 : i32
        %mul3A_76 = arith.muli %mul3A_75, %scan3A_32 : i32
        %get3A_77 = arith.constant 6 : i32
        %get3A_78 = arith.index_cast %get3A_77 : i32 to index
        %get3A_79 = arith.index_cast %mul3A_76 : i32 to index
        %get3A_80 = tpu.vector_load %arg6[%get3A_78, %get3A_79] {strides = array<i32>} : memref<56x1024xf32, #tpu.memory_space<vmem>>, vector<1x16xf32>,
        %get3A_81 = vector.shape_cast %get3A_80 : vector<1x16xf32> to vector<16xf32>
        %mul3A_82 = arith.constant 16 : i32
        %mul3A_83 = arith.muli %mul3A_82, %scan3A_32 : i32
        %get3A_84 = arith.constant 7 : i32
        %get3A_85 = arith.index_cast %get3A_84 : i32 to index
        %get3A_86 = arith.index_cast %mul3A_83 : i32 to index
        %get3A_87 = tpu.vector_load %arg6[%get3A_85, %get3A_86] {strides = array<i32>} : memref<56x1024xf32, #tpu.memory_space<vmem>>, vector<1x16xf32>,
        %get3A_88 = vector.shape_cast %get3A_87 : vector<1x16xf32> to vector<16xf32>
        %add3A_89 = arith.addf %get3A_39, %get3A_67 : vector<16xf32>
        %add3A_90 = arith.addf %get3A_46, %get3A_74 : vector<16xf32>
        %add3A_91 = arith.addf %get3A_53, %get3A_81 : vector<16xf32>
        %add3A_92 = arith.addf %get3A_60, %get3A_88 : vector<16xf32>
        %add3A_93 = arith.addf %add3A_89, %add3A_91 : vector<16xf32>
        %add3A_94 = arith.addf %add3A_90, %add3A_92 : vector<16xf32>
        %add3A_95 = arith.addf %add3A_93, %add3A_94 : vector<16xf32>
        %mul3A_96 = arith.constant 16 : i32
        %mul3A_97 = arith.muli %mul3A_96, %scan3A_32 : i32
        %get3A_98 = arith.constant 8 : i32
        %get3A_99 = arith.index_cast %get3A_98 : i32 to index
        %get3A_100 = arith.index_cast %mul3A_97 : i32 to index
        %get3A_101 = tpu.vector_load %arg6[%get3A_99, %get3A_100] {strides = array<i32>} : memref<56x1024xf32, #tpu.memory_space<vmem>>, vector<1x16xf32>,
        %get3A_102 = vector.shape_cast %get3A_101 : vector<1x16xf32> to vector<16xf32>
        %mul3A_103 = arith.constant 16 : i32
        %mul3A_104 = arith.muli %mul3A_103, %scan3A_32 : i32
        %get3A_105 = arith.constant 9 : i32
        %get3A_106 = arith.index_cast %get3A_105 : i32 to index
        %get3A_107 = arith.index_cast %mul3A_104 : i32 to index
        %get3A_108 = tpu.vector_load %arg6[%get3A_106, %get3A_107] {strides = array<i32>} : memref<56x1024xf32, #tpu.memory_space<vmem>>, vector<1x16xf32>,
        %get3A_109 = vector.shape_cast %get3A_108 : vector<1x16xf32> to vector<16xf32>
        %mul3A_110 = arith.constant 16 : i32
        %mul3A_111 = arith.muli %mul3A_110, %scan3A_32 : i32
        %get3A_112 = arith.constant 10 : i32
        %get3A_113 = arith.index_cast %get3A_112 : i32 to index
        %get3A_114 = arith.index_cast %mul3A_111 : i32 to index
        %get3A_115 = tpu.vector_load %arg6[%get3A_113, %get3A_114] {strides = array<i32>} : memref<56x1024xf32, #tpu.memory_space<vmem>>, vector<1x16xf32>,
        %get3A_116 = vector.shape_cast %get3A_115 : vector<1x16xf32> to vector<16xf32>
        %mul3A_117 = arith.constant 16 : i32
        %mul3A_118 = arith.muli %mul3A_117, %scan3A_32 : i32
        %get3A_119 = arith.constant 11 : i32
        %get3A_120 = arith.index_cast %get3A_119 : i32 to index
        %get3A_121 = arith.index_cast %mul3A_118 : i32 to index
        %get3A_122 = tpu.vector_load %arg6[%get3A_120, %get3A_121] {strides = array<i32>} : memref<56x1024xf32, #tpu.memory_space<vmem>>, vector<1x16xf32>,
        %get3A_123 = vector.shape_cast %get3A_122 : vector<1x16xf32> to vector<16xf32>
        %mul3A_124 = arith.constant 16 : i32
        %mul3A_125 = arith.muli %mul3A_124, %scan3A_32 : i32
        %get3A_126 = arith.constant 12 : i32
        %get3A_127 = arith.index_cast %get3A_126 : i32 to index
        %get3A_128 = arith.index_cast %mul3A_125 : i32 to index
        %get3A_129 = tpu.vector_load %arg6[%get3A_127, %get3A_128] {strides = array<i32>} : memref<56x1024xf32, #tpu.memory_space<vmem>>, vector<1x16xf32>,
        %get3A_130 = vector.shape_cast %get3A_129 : vector<1x16xf32> to vector<16xf32>
        %mul3A_131 = arith.constant 16 : i32
        %mul3A_132 = arith.muli %mul3A_131, %scan3A_32 : i32
        %get3A_133 = arith.constant 13 : i32
        %get3A_134 = arith.index_cast %get3A_133 : i32 to index
        %get3A_135 = arith.index_cast %mul3A_132 : i32 to index
        %get3A_136 = tpu.vector_load %arg6[%get3A_134, %get3A_135] {strides = array<i32>} : memref<56x1024xf32, #tpu.memory_space<vmem>>, vector<1x16xf32>,
        %get3A_137 = vector.shape_cast %get3A_136 : vector<1x16xf32> to vector<16xf32>
        %mul3A_138 = arith.constant 16 : i32
        %mul3A_139 = arith.muli %mul3A_138, %scan3A_32 : i32
        %get3A_140 = arith.constant 14 : i32
        %get3A_141 = arith.index_cast %get3A_140 : i32 to index
        %get3A_142 = arith.index_cast %mul3A_139 : i32 to index
        %get3A_143 = tpu.vector_load %arg6[%get3A_141, %get3A_142] {strides = array<i32>} : memref<56x1024xf32, #tpu.memory_space<vmem>>, vector<1x16xf32>,
        %get3A_144 = vector.shape_cast %get3A_143 : vector<1x16xf32> to vector<16xf32>
        %mul3A_145 = arith.constant 16 : i32
        %mul3A_146 = arith.muli %mul3A_145, %scan3A_32 : i32
        %get3A_147 = arith.constant 15 : i32
        %get3A_148 = arith.index_cast %get3A_147 : i32 to index
        %get3A_149 = arith.index_cast %mul3A_146 : i32 to index
        %get3A_150 = tpu.vector_load %arg6[%get3A_148, %get3A_149] {strides = array<i32>} : memref<56x1024xf32, #tpu.memory_space<vmem>>, vector<1x16xf32>,
        %get3A_151 = vector.shape_cast %get3A_150 : vector<1x16xf32> to vector<16xf32>
        %add3A_152 = arith.addf %get3A_102, %get3A_130 : vector<16xf32>
        %add3A_153 = arith.addf %get3A_109, %get3A_137 : vector<16xf32>
        %add3A_154 = arith.addf %get3A_116, %get3A_144 : vector<16xf32>
        %add3A_155 = arith.addf %get3A_123, %get3A_151 : vector<16xf32>
        %add3A_156 = arith.addf %add3A_152, %add3A_154 : vector<16xf32>
        %add3A_157 = arith.addf %add3A_153, %add3A_155 : vector<16xf32>
        %add3A_158 = arith.addf %add3A_156, %add3A_157 : vector<16xf32>
        %add3A_159 = arith.addf %add3A_95, %add3A_158 : vector<16xf32>
        %mul3A_160 = arith.constant 16 : i32
        %mul3A_161 = arith.muli %mul3A_160, %scan3A_32 : i32
        %get3A_162 = arith.constant 16 : i32
        %get3A_163 = arith.index_cast %get3A_162 : i32 to index
        %get3A_164 = arith.index_cast %mul3A_161 : i32 to index
        %get3A_165 = tpu.vector_load %arg6[%get3A_163, %get3A_164] {strides = array<i32>} : memref<56x1024xf32, #tpu.memory_space<vmem>>, vector<1x16xf32>,
        %get3A_166 = vector.shape_cast %get3A_165 : vector<1x16xf32> to vector<16xf32>
        %mul3A_167 = arith.constant 16 : i32
        %mul3A_168 = arith.muli %mul3A_167, %scan3A_32 : i32
        %get3A_169 = arith.constant 17 : i32
        %get3A_170 = arith.index_cast %get3A_169 : i32 to index
        %get3A_171 = arith.index_cast %mul3A_168 : i32 to index
        %get3A_172 = tpu.vector_load %arg6[%get3A_170, %get3A_171] {strides = array<i32>} : memref<56x1024xf32, #tpu.memory_space<vmem>>, vector<1x16xf32>,
        %get3A_173 = vector.shape_cast %get3A_172 : vector<1x16xf32> to vector<16xf32>
        %mul3A_174 = arith.constant 16 : i32
        %mul3A_175 = arith.muli %mul3A_174, %scan3A_32 : i32
        %get3A_176 = arith.constant 18 : i32
        %get3A_177 = arith.index_cast %get3A_176 : i32 to index
        %get3A_178 = arith.index_cast %mul3A_175 : i32 to index
        %get3A_179 = tpu.vector_load %arg6[%get3A_177, %get3A_178] {strides = array<i32>} : memref<56x1024xf32, #tpu.memory_space<vmem>>, vector<1x16xf32>,
        %get3A_180 = vector.shape_cast %get3A_179 : vector<1x16xf32> to vector<16xf32>
        %mul3A_181 = arith.constant 16 : i32
        %mul3A_182 = arith.muli %mul3A_181, %scan3A_32 : i32
        %get3A_183 = arith.constant 19 : i32
        %get3A_184 = arith.index_cast %get3A_183 : i32 to index
        %get3A_185 = arith.index_cast %mul3A_182 : i32 to index
        %get3A_186 = tpu.vector_load %arg6[%get3A_184, %get3A_185] {strides = array<i32>} : memref<56x1024xf32, #tpu.memory_space<vmem>>, vector<1x16xf32>,
        %get3A_187 = vector.shape_cast %get3A_186 : vector<1x16xf32> to vector<16xf32>
        %mul3A_188 = arith.constant 16 : i32
        %mul3A_189 = arith.muli %mul3A_188, %scan3A_32 : i32
        %get3A_190 = arith.constant 20 : i32
        %get3A_191 = arith.index_cast %get3A_190 : i32 to index
        %get3A_192 = arith.index_cast %mul3A_189 : i32 to index
        %get3A_193 = tpu.vector_load %arg6[%get3A_191, %get3A_192] {strides = array<i32>} : memref<56x1024xf32, #tpu.memory_space<vmem>>, vector<1x16xf32>,
        %get3A_194 = vector.shape_cast %get3A_193 : vector<1x16xf32> to vector<16xf32>
        %mul3A_195 = arith.constant 16 : i32
        %mul3A_196 = arith.muli %mul3A_195, %scan3A_32 : i32
        %get3A_197 = arith.constant 21 : i32
        %get3A_198 = arith.index_cast %get3A_197 : i32 to index
        %get3A_199 = arith.index_cast %mul3A_196 : i32 to index
        %get3A_200 = tpu.vector_load %arg6[%get3A_198, %get3A_199] {strides = array<i32>} : memref<56x1024xf32, #tpu.memory_space<vmem>>, vector<1x16xf32>,
        %get3A_201 = vector.shape_cast %get3A_200 : vector<1x16xf32> to vector<16xf32>
        %mul3A_202 = arith.constant 16 : i32
        %mul3A_203 = arith.muli %mul3A_202, %scan3A_32 : i32
        %get3A_204 = arith.constant 22 : i32
        %get3A_205 = arith.index_cast %get3A_204 : i32 to index
        %get3A_206 = arith.index_cast %mul3A_203 : i32 to index
        %get3A_207 = tpu.vector_load %arg6[%get3A_205, %get3A_206] {strides = array<i32>} : memref<56x1024xf32, #tpu.memory_space<vmem>>, vector<1x16xf32>,
        %get3A_208 = vector.shape_cast %get3A_207 : vector<1x16xf32> to vector<16xf32>
        %mul3A_209 = arith.constant 16 : i32
        %mul3A_210 = arith.muli %mul3A_209, %scan3A_32 : i32
        %get3A_211 = arith.constant 23 : i32
        %get3A_212 = arith.index_cast %get3A_211 : i32 to index
        %get3A_213 = arith.index_cast %mul3A_210 : i32 to index
        %get3A_214 = tpu.vector_load %arg6[%get3A_212, %get3A_213] {strides = array<i32>} : memref<56x1024xf32, #tpu.memory_space<vmem>>, vector<1x16xf32>,
        %get3A_215 = vector.shape_cast %get3A_214 : vector<1x16xf32> to vector<16xf32>
        %add3A_216 = arith.addf %get3A_166, %get3A_194 : vector<16xf32>
        %add3A_217 = arith.addf %get3A_173, %get3A_201 : vector<16xf32>
        %add3A_218 = arith.addf %get3A_180, %get3A_208 : vector<16xf32>
        %add3A_219 = arith.addf %get3A_187, %get3A_215 : vector<16xf32>
        %add3A_220 = arith.addf %add3A_216, %add3A_218 : vector<16xf32>
        %add3A_221 = arith.addf %add3A_217, %add3A_219 : vector<16xf32>
        %add3A_222 = arith.addf %add3A_220, %add3A_221 : vector<16xf32>
        %add3A_223 = arith.addf %add3A_159, %add3A_222 : vector<16xf32>
        %mul3A_224 = arith.constant 16 : i32
        %mul3A_225 = arith.muli %mul3A_224, %scan3A_32 : i32
        %get3A_226 = arith.constant 24 : i32
        %get3A_227 = arith.index_cast %get3A_226 : i32 to index
        %get3A_228 = arith.index_cast %mul3A_225 : i32 to index
        %get3A_229 = tpu.vector_load %arg6[%get3A_227, %get3A_228] {strides = array<i32>} : memref<56x1024xf32, #tpu.memory_space<vmem>>, vector<1x16xf32>,
        %get3A_230 = vector.shape_cast %get3A_229 : vector<1x16xf32> to vector<16xf32>
        %mul3A_231 = arith.constant 16 : i32
        %mul3A_232 = arith.muli %mul3A_231, %scan3A_32 : i32
        %get3A_233 = arith.constant 25 : i32
        %get3A_234 = arith.index_cast %get3A_233 : i32 to index
        %get3A_235 = arith.index_cast %mul3A_232 : i32 to index
        %get3A_236 = tpu.vector_load %arg6[%get3A_234, %get3A_235] {strides = array<i32>} : memref<56x1024xf32, #tpu.memory_space<vmem>>, vector<1x16xf32>,
        %get3A_237 = vector.shape_cast %get3A_236 : vector<1x16xf32> to vector<16xf32>
        %mul3A_238 = arith.constant 16 : i32
        %mul3A_239 = arith.muli %mul3A_238, %scan3A_32 : i32
        %get3A_240 = arith.constant 26 : i32
        %get3A_241 = arith.index_cast %get3A_240 : i32 to index
        %get3A_242 = arith.index_cast %mul3A_239 : i32 to index
        %get3A_243 = tpu.vector_load %arg6[%get3A_241, %get3A_242] {strides = array<i32>} : memref<56x1024xf32, #tpu.memory_space<vmem>>, vector<1x16xf32>,
        %get3A_244 = vector.shape_cast %get3A_243 : vector<1x16xf32> to vector<16xf32>
        %mul3A_245 = arith.constant 16 : i32
        %mul3A_246 = arith.muli %mul3A_245, %scan3A_32 : i32
        %get3A_247 = arith.constant 27 : i32
        %get3A_248 = arith.index_cast %get3A_247 : i32 to index
        %get3A_249 = arith.index_cast %mul3A_246 : i32 to index
        %get3A_250 = tpu.vector_load %arg6[%get3A_248, %get3A_249] {strides = array<i32>} : memref<56x1024xf32, #tpu.memory_space<vmem>>, vector<1x16xf32>,
        %get3A_251 = vector.shape_cast %get3A_250 : vector<1x16xf32> to vector<16xf32>
        %mul3A_252 = arith.constant 16 : i32
        %mul3A_253 = arith.muli %mul3A_252, %scan3A_32 : i32
        %get3A_254 = arith.constant 28 : i32
        %get3A_255 = arith.index_cast %get3A_254 : i32 to index
        %get3A_256 = arith.index_cast %mul3A_253 : i32 to index
        %get3A_257 = tpu.vector_load %arg6[%get3A_255, %get3A_256] {strides = array<i32>} : memref<56x1024xf32, #tpu.memory_space<vmem>>, vector<1x16xf32>,
        %get3A_258 = vector.shape_cast %get3A_257 : vector<1x16xf32> to vector<16xf32>
        %mul3A_259 = arith.constant 16 : i32
        %mul3A_260 = arith.muli %mul3A_259, %scan3A_32 : i32
        %get3A_261 = arith.constant 29 : i32
        %get3A_262 = arith.index_cast %get3A_261 : i32 to index
        %get3A_263 = arith.index_cast %mul3A_260 : i32 to index
        %get3A_264 = tpu.vector_load %arg6[%get3A_262, %get3A_263] {strides = array<i32>} : memref<56x1024xf32, #tpu.memory_space<vmem>>, vector<1x16xf32>,
        %get3A_265 = vector.shape_cast %get3A_264 : vector<1x16xf32> to vector<16xf32>
        %mul3A_266 = arith.constant 16 : i32
        %mul3A_267 = arith.muli %mul3A_266, %scan3A_32 : i32
        %get3A_268 = arith.constant 30 : i32
        %get3A_269 = arith.index_cast %get3A_268 : i32 to index
        %get3A_270 = arith.index_cast %mul3A_267 : i32 to index
        %get3A_271 = tpu.vector_load %arg6[%get3A_269, %get3A_270] {strides = array<i32>} : memref<56x1024xf32, #tpu.memory_space<vmem>>, vector<1x16xf32>,
        %get3A_272 = vector.shape_cast %get3A_271 : vector<1x16xf32> to vector<16xf32>
        %mul3A_273 = arith.constant 16 : i32
        %mul3A_274 = arith.muli %mul3A_273, %scan3A_32 : i32
        %get3A_275 = arith.constant 31 : i32
        %get3A_276 = arith.index_cast %get3A_275 : i32 to index
        %get3A_277 = arith.index_cast %mul3A_274 : i32 to index
        %get3A_278 = tpu.vector_load %arg6[%get3A_276, %get3A_277] {strides = array<i32>} : memref<56x1024xf32, #tpu.memory_space<vmem>>, vector<1x16xf32>,
        %get3A_279 = vector.shape_cast %get3A_278 : vector<1x16xf32> to vector<16xf32>
        %add3A_280 = arith.addf %get3A_230, %get3A_258 : vector<16xf32>
        %add3A_281 = arith.addf %get3A_237, %get3A_265 : vector<16xf32>
        %add3A_282 = arith.addf %get3A_244, %get3A_272 : vector<16xf32>
        %add3A_283 = arith.addf %get3A_251, %get3A_279 : vector<16xf32>
        %add3A_284 = arith.addf %add3A_280, %add3A_282 : vector<16xf32>
        %add3A_285 = arith.addf %add3A_281, %add3A_283 : vector<16xf32>
        %add3A_286 = arith.addf %add3A_284, %add3A_285 : vector<16xf32>
        %add3A_287 = arith.addf %add3A_223, %add3A_286 : vector<16xf32>
        %mul3A_288 = arith.constant 16 : i32
        %mul3A_289 = arith.muli %mul3A_288, %scan3A_32 : i32
        %get3A_290 = arith.constant 32 : i32
        %get3A_291 = arith.index_cast %get3A_290 : i32 to index
        %get3A_292 = arith.index_cast %mul3A_289 : i32 to index
        %get3A_293 = tpu.vector_load %arg6[%get3A_291, %get3A_292] {strides = array<i32>} : memref<56x1024xf32, #tpu.memory_space<vmem>>, vector<1x16xf32>,
        %get3A_294 = vector.shape_cast %get3A_293 : vector<1x16xf32> to vector<16xf32>
        %mul3A_295 = arith.constant 16 : i32
        %mul3A_296 = arith.muli %mul3A_295, %scan3A_32 : i32
        %get3A_297 = arith.constant 33 : i32
        %get3A_298 = arith.index_cast %get3A_297 : i32 to index
        %get3A_299 = arith.index_cast %mul3A_296 : i32 to index
        %get3A_300 = tpu.vector_load %arg6[%get3A_298, %get3A_299] {strides = array<i32>} : memref<56x1024xf32, #tpu.memory_space<vmem>>, vector<1x16xf32>,
        %get3A_301 = vector.shape_cast %get3A_300 : vector<1x16xf32> to vector<16xf32>
        %mul3A_302 = arith.constant 16 : i32
        %mul3A_303 = arith.muli %mul3A_302, %scan3A_32 : i32
        %get3A_304 = arith.constant 34 : i32
        %get3A_305 = arith.index_cast %get3A_304 : i32 to index
        %get3A_306 = arith.index_cast %mul3A_303 : i32 to index
        %get3A_307 = tpu.vector_load %arg6[%get3A_305, %get3A_306] {strides = array<i32>} : memref<56x1024xf32, #tpu.memory_space<vmem>>, vector<1x16xf32>,
        %get3A_308 = vector.shape_cast %get3A_307 : vector<1x16xf32> to vector<16xf32>
        %mul3A_309 = arith.constant 16 : i32
        %mul3A_310 = arith.muli %mul3A_309, %scan3A_32 : i32
        %get3A_311 = arith.constant 35 : i32
        %get3A_312 = arith.index_cast %get3A_311 : i32 to index
        %get3A_313 = arith.index_cast %mul3A_310 : i32 to index
        %get3A_314 = tpu.vector_load %arg6[%get3A_312, %get3A_313] {strides = array<i32>} : memref<56x1024xf32, #tpu.memory_space<vmem>>, vector<1x16xf32>,
        %get3A_315 = vector.shape_cast %get3A_314 : vector<1x16xf32> to vector<16xf32>
        %mul3A_316 = arith.constant 16 : i32
        %mul3A_317 = arith.muli %mul3A_316, %scan3A_32 : i32
        %get3A_318 = arith.constant 36 : i32
        %get3A_319 = arith.index_cast %get3A_318 : i32 to index
        %get3A_320 = arith.index_cast %mul3A_317 : i32 to index
        %get3A_321 = tpu.vector_load %arg6[%get3A_319, %get3A_320] {strides = array<i32>} : memref<56x1024xf32, #tpu.memory_space<vmem>>, vector<1x16xf32>,
        %get3A_322 = vector.shape_cast %get3A_321 : vector<1x16xf32> to vector<16xf32>
        %mul3A_323 = arith.constant 16 : i32
        %mul3A_324 = arith.muli %mul3A_323, %scan3A_32 : i32
        %get3A_325 = arith.constant 37 : i32
        %get3A_326 = arith.index_cast %get3A_325 : i32 to index
        %get3A_327 = arith.index_cast %mul3A_324 : i32 to index
        %get3A_328 = tpu.vector_load %arg6[%get3A_326, %get3A_327] {strides = array<i32>} : memref<56x1024xf32, #tpu.memory_space<vmem>>, vector<1x16xf32>,
        %get3A_329 = vector.shape_cast %get3A_328 : vector<1x16xf32> to vector<16xf32>
        %mul3A_330 = arith.constant 16 : i32
        %mul3A_331 = arith.muli %mul3A_330, %scan3A_32 : i32
        %get3A_332 = arith.constant 38 : i32
        %get3A_333 = arith.index_cast %get3A_332 : i32 to index
        %get3A_334 = arith.index_cast %mul3A_331 : i32 to index
        %get3A_335 = tpu.vector_load %arg6[%get3A_333, %get3A_334] {strides = array<i32>} : memref<56x1024xf32, #tpu.memory_space<vmem>>, vector<1x16xf32>,
        %get3A_336 = vector.shape_cast %get3A_335 : vector<1x16xf32> to vector<16xf32>
        %mul3A_337 = arith.constant 16 : i32
        %mul3A_338 = arith.muli %mul3A_337, %scan3A_32 : i32
        %get3A_339 = arith.constant 39 : i32
        %get3A_340 = arith.index_cast %get3A_339 : i32 to index
        %get3A_341 = arith.index_cast %mul3A_338 : i32 to index
        %get3A_342 = tpu.vector_load %arg6[%get3A_340, %get3A_341] {strides = array<i32>} : memref<56x1024xf32, #tpu.memory_space<vmem>>, vector<1x16xf32>,
        %get3A_343 = vector.shape_cast %get3A_342 : vector<1x16xf32> to vector<16xf32>
        %add3A_344 = arith.addf %get3A_294, %get3A_322 : vector<16xf32>
        %add3A_345 = arith.addf %get3A_301, %get3A_329 : vector<16xf32>
        %add3A_346 = arith.addf %get3A_308, %get3A_336 : vector<16xf32>
        %add3A_347 = arith.addf %get3A_315, %get3A_343 : vector<16xf32>
        %add3A_348 = arith.addf %add3A_344, %add3A_346 : vector<16xf32>
        %add3A_349 = arith.addf %add3A_345, %add3A_347 : vector<16xf32>
        %add3A_350 = arith.addf %add3A_348, %add3A_349 : vector<16xf32>
        %add3A_351 = arith.addf %add3A_287, %add3A_350 : vector<16xf32>
        %mul3A_352 = arith.constant 16 : i32
        %mul3A_353 = arith.muli %mul3A_352, %scan3A_32 : i32
        %get3A_354 = arith.constant 40 : i32
        %get3A_355 = arith.index_cast %get3A_354 : i32 to index
        %get3A_356 = arith.index_cast %mul3A_353 : i32 to index
        %get3A_357 = tpu.vector_load %arg6[%get3A_355, %get3A_356] {strides = array<i32>} : memref<56x1024xf32, #tpu.memory_space<vmem>>, vector<1x16xf32>,
        %get3A_358 = vector.shape_cast %get3A_357 : vector<1x16xf32> to vector<16xf32>
        %mul3A_359 = arith.constant 16 : i32
        %mul3A_360 = arith.muli %mul3A_359, %scan3A_32 : i32
        %get3A_361 = arith.constant 41 : i32
        %get3A_362 = arith.index_cast %get3A_361 : i32 to index
        %get3A_363 = arith.index_cast %mul3A_360 : i32 to index
        %get3A_364 = tpu.vector_load %arg6[%get3A_362, %get3A_363] {strides = array<i32>} : memref<56x1024xf32, #tpu.memory_space<vmem>>, vector<1x16xf32>,
        %get3A_365 = vector.shape_cast %get3A_364 : vector<1x16xf32> to vector<16xf32>
        %mul3A_366 = arith.constant 16 : i32
        %mul3A_367 = arith.muli %mul3A_366, %scan3A_32 : i32
        %get3A_368 = arith.constant 42 : i32
        %get3A_369 = arith.index_cast %get3A_368 : i32 to index
        %get3A_370 = arith.index_cast %mul3A_367 : i32 to index
        %get3A_371 = tpu.vector_load %arg6[%get3A_369, %get3A_370] {strides = array<i32>} : memref<56x1024xf32, #tpu.memory_space<vmem>>, vector<1x16xf32>,
        %get3A_372 = vector.shape_cast %get3A_371 : vector<1x16xf32> to vector<16xf32>
        %mul3A_373 = arith.constant 16 : i32
        %mul3A_374 = arith.muli %mul3A_373, %scan3A_32 : i32
        %get3A_375 = arith.constant 43 : i32
        %get3A_376 = arith.index_cast %get3A_375 : i32 to index
        %get3A_377 = arith.index_cast %mul3A_374 : i32 to index
        %get3A_378 = tpu.vector_load %arg6[%get3A_376, %get3A_377] {strides = array<i32>} : memref<56x1024xf32, #tpu.memory_space<vmem>>, vector<1x16xf32>,
        %get3A_379 = vector.shape_cast %get3A_378 : vector<1x16xf32> to vector<16xf32>
        %mul3A_380 = arith.constant 16 : i32
        %mul3A_381 = arith.muli %mul3A_380, %scan3A_32 : i32
        %get3A_382 = arith.constant 44 : i32
        %get3A_383 = arith.index_cast %get3A_382 : i32 to index
        %get3A_384 = arith.index_cast %mul3A_381 : i32 to index
        %get3A_385 = tpu.vector_load %arg6[%get3A_383, %get3A_384] {strides = array<i32>} : memref<56x1024xf32, #tpu.memory_space<vmem>>, vector<1x16xf32>,
        %get3A_386 = vector.shape_cast %get3A_385 : vector<1x16xf32> to vector<16xf32>
        %mul3A_387 = arith.constant 16 : i32
        %mul3A_388 = arith.muli %mul3A_387, %scan3A_32 : i32
        %get3A_389 = arith.constant 45 : i32
        %get3A_390 = arith.index_cast %get3A_389 : i32 to index
        %get3A_391 = arith.index_cast %mul3A_388 : i32 to index
        %get3A_392 = tpu.vector_load %arg6[%get3A_390, %get3A_391] {strides = array<i32>} : memref<56x1024xf32, #tpu.memory_space<vmem>>, vector<1x16xf32>,
        %get3A_393 = vector.shape_cast %get3A_392 : vector<1x16xf32> to vector<16xf32>
        %mul3A_394 = arith.constant 16 : i32
        %mul3A_395 = arith.muli %mul3A_394, %scan3A_32 : i32
        %get3A_396 = arith.constant 46 : i32
        %get3A_397 = arith.index_cast %get3A_396 : i32 to index
        %get3A_398 = arith.index_cast %mul3A_395 : i32 to index
        %get3A_399 = tpu.vector_load %arg6[%get3A_397, %get3A_398] {strides = array<i32>} : memref<56x1024xf32, #tpu.memory_space<vmem>>, vector<1x16xf32>,
        %get3A_400 = vector.shape_cast %get3A_399 : vector<1x16xf32> to vector<16xf32>
        %mul3A_401 = arith.constant 16 : i32
        %mul3A_402 = arith.muli %mul3A_401, %scan3A_32 : i32
        %get3A_403 = arith.constant 47 : i32
        %get3A_404 = arith.index_cast %get3A_403 : i32 to index
        %get3A_405 = arith.index_cast %mul3A_402 : i32 to index
        %get3A_406 = tpu.vector_load %arg6[%get3A_404, %get3A_405] {strides = array<i32>} : memref<56x1024xf32, #tpu.memory_space<vmem>>, vector<1x16xf32>,
        %get3A_407 = vector.shape_cast %get3A_406 : vector<1x16xf32> to vector<16xf32>
        %add3A_408 = arith.addf %get3A_358, %get3A_386 : vector<16xf32>
        %add3A_409 = arith.addf %get3A_365, %get3A_393 : vector<16xf32>
        %add3A_410 = arith.addf %get3A_372, %get3A_400 : vector<16xf32>
        %add3A_411 = arith.addf %get3A_379, %get3A_407 : vector<16xf32>
        %add3A_412 = arith.addf %add3A_408, %add3A_410 : vector<16xf32>
        %add3A_413 = arith.addf %add3A_409, %add3A_411 : vector<16xf32>
        %add3A_414 = arith.addf %add3A_412, %add3A_413 : vector<16xf32>
        %add3A_415 = arith.addf %add3A_351, %add3A_414 : vector<16xf32>
        %mul3A_416 = arith.constant 16 : i32
        %mul3A_417 = arith.muli %mul3A_416, %scan3A_32 : i32
        %get3A_418 = arith.constant 48 : i32
        %get3A_419 = arith.index_cast %get3A_418 : i32 to index
        %get3A_420 = arith.index_cast %mul3A_417 : i32 to index
        %get3A_421 = tpu.vector_load %arg6[%get3A_419, %get3A_420] {strides = array<i32>} : memref<56x1024xf32, #tpu.memory_space<vmem>>, vector<1x16xf32>,
        %get3A_422 = vector.shape_cast %get3A_421 : vector<1x16xf32> to vector<16xf32>
        %mul3A_423 = arith.constant 16 : i32
        %mul3A_424 = arith.muli %mul3A_423, %scan3A_32 : i32
        %get3A_425 = arith.constant 49 : i32
        %get3A_426 = arith.index_cast %get3A_425 : i32 to index
        %get3A_427 = arith.index_cast %mul3A_424 : i32 to index
        %get3A_428 = tpu.vector_load %arg6[%get3A_426, %get3A_427] {strides = array<i32>} : memref<56x1024xf32, #tpu.memory_space<vmem>>, vector<1x16xf32>,
        %get3A_429 = vector.shape_cast %get3A_428 : vector<1x16xf32> to vector<16xf32>
        %add3A_430 = arith.addf %get3A_422, %get3A_429 : vector<16xf32>
        %add3A_431 = arith.addf %add3A_415, %add3A_430 : vector<16xf32>
        %mul3A_432 = vector.broadcast %div3A_2 : f32 to vector<16xf32>
        %mul3A_433 = arith.mulf %add3A_431, %mul3A_432 : vector<16xf32>
        %mul3A_434 = arith.constant 16 : i32
        %mul3A_435 = arith.muli %mul3A_434, %scan3A_32 : i32
        %swap3A = arith.index_cast %mul3A_435 : i32 to index
        %swap3A_436 = tpu.vector_load %arg7[%swap3A] {strides = array<i32>} : memref<1024xf32, #tpu.memory_space<vmem>>, vector<16xf32>,
        %swap3A_437 = vector.shape_cast %swap3A_436 : vector<16xf32> to vector<16xf32>
        %swap3A_438 = vector.shape_cast %mul3A_433 : vector<16xf32> to vector<16xf32>
        tpu.vector_store %arg7[%swap3A], %swap3A_438 {strides = array<i32>} : memref<1024xf32, #tpu.memory_space<vmem>>, vector<16xf32>,
        %scan3A_439 = arith.constant 0 : i32
        scf.yield %scan3A_439 : i32
      }
      %scan3A_27 = arith.constant 64 : i32
      %mul3A_28 = arith.constant 32 : i32
      %mul3A_29 = arith.muli %add3A, %mul3A_28 : i32
      %add3A_30 = arith.addi %mul3A_29, %scan3A_9 : i32
      "tpu.region"() ({
        %run_scoped3A = tpu.sem_alloc : memref<!tpu.dma_semaphore, #tpu.memory_space<semaphore_mem>>
        %dma_start3A_32 = arith.constant 0 : i32
        %dma_start3A_33 = tpu.memref_slice %arg4[%add3A_30, %dma_start3A_32] : memref<1024x1024xf32, #tpu.memory_space<hbm>> -> memref<1x1024xf32, #tpu.memory_space<hbm>>
        %dma_start3A_34 = tpu.memref_squeeze %dma_start3A_33 : memref<1x1024xf32, #tpu.memory_space<hbm>> -> memref<1024xf32, #tpu.memory_space<hbm>>
        %dma_start3A_35 = arith.constant 0 : i32
        %dma_start3A_36 = tpu.memref_slice %arg4[%add3A_30, %dma_start3A_35] : memref<1024x1024xf32, #tpu.memory_space<hbm>> -> memref<1x1024xf32, #tpu.memory_space<hbm>>
        %dma_start3A_37 = tpu.memref_squeeze %dma_start3A_36 : memref<1x1024xf32, #tpu.memory_space<hbm>> -> memref<1024xf32, #tpu.memory_space<hbm>>
        tpu.enqueue_dma source(%arg7 : memref<1024xf32, #tpu.memory_space<vmem>>) target(%dma_start3A_37 : memref<1024xf32, #tpu.memory_space<hbm>>) target_semaphore(%run_scoped3A : memref<!tpu.dma_semaphore, #tpu.memory_space<semaphore_mem>>)
        %dma_wait3A_38 = arith.constant 0 : i32
        %dma_wait3A_39 = tpu.memref_slice %arg4[%add3A_30, %dma_wait3A_38] : memref<1024x1024xf32, #tpu.memory_space<hbm>> -> memref<1x1024xf32, #tpu.memory_space<hbm>>
        %dma_wait3A_40 = tpu.memref_squeeze %dma_wait3A_39 : memref<1x1024xf32, #tpu.memory_space<hbm>> -> memref<1024xf32, #tpu.memory_space<hbm>>
        %dma_wait3A_41 = arith.constant 0 : i32
        %dma_wait3A_42 = tpu.memref_slice %arg4[%add3A_30, %dma_wait3A_41] : memref<1024x1024xf32, #tpu.memory_space<hbm>> -> memref<1x1024xf32, #tpu.memory_space<hbm>>
        %dma_wait3A_43 = tpu.memref_squeeze %dma_wait3A_42 : memref<1x1024xf32, #tpu.memory_space<hbm>> -> memref<1024xf32, #tpu.memory_space<hbm>>
        tpu.wait_dma2 semaphore(%run_scoped3A : memref<!tpu.dma_semaphore, #tpu.memory_space<semaphore_mem>>) src(%arg7 : memref<1024xf32, #tpu.memory_space<vmem>>) dst(%dma_wait3A_43 : memref<1024xf32, #tpu.memory_space<hbm>>)
        tpu.yield
      }) : () -> ()
      %scan3A_31 = arith.constant 0 : i32
      scf.yield %scan3A_31 : i32
    }
    %scan3A_8 = arith.constant 32 : i32
    return
  }
}

module attributes {stable_mosaic.version = 14 : i64} {
  func.func @_moe_body(%arg0: i32, %arg1: i32, %arg2: memref<1024x1024xf32, #tpu.memory_space<vmem>>, %arg3: memref<1024x1024xf32, #tpu.memory_space<vmem>>, %arg4: memref<1x1024xf32, #tpu.memory_space<vmem>>, %arg5: memref<1024x16xf32, #tpu.memory_space<vmem>>, %arg6: memref<1x16xf32, #tpu.memory_space<vmem>>, %arg7: memref<1x1024x2048xf32, #tpu.memory_space<vmem>>, %arg8: memref<1x1x2048xf32, #tpu.memory_space<vmem>>, %arg9: memref<1x2048x1024xf32, #tpu.memory_space<vmem>>, %arg10: memref<1x1x1024xf32, #tpu.memory_space<vmem>>, %arg11: memref<1x1x1024xf32, #tpu.memory_space<vmem>>, %arg12: memref<1024x16xf32, #tpu.memory_space<vmem>>, %arg13: memref<1x16xf32, #tpu.memory_space<vmem>>, %arg14: memref<1x1xf32, #tpu.memory_space<smem>>, %arg15: memref<1024x16xf32, #tpu.memory_space<vmem>>, %arg16: memref<1x1xf32, #tpu.memory_space<vmem>>, %arg17: memref<1024x1024xf32, #tpu.memory_space<vmem>>, %arg18: memref<1024x1024xf32, #tpu.memory_space<vmem>>, %arg19: memref<1024x16xf32, #tpu.memory_space<vmem>>, %arg20: memref<1024x1xi32, #tpu.memory_space<vmem>>, %arg21: memref<1024x1xf32, #tpu.memory_space<vmem>>, %arg22: memref<1x1xf32, #tpu.memory_space<smem>>) attributes {dimension_semantics = [#tpu.dimension_semantics<arbitrary>, #tpu.dimension_semantics<arbitrary>], iteration_bounds = array<i64: 5, 9>, scalar_prefetch = 0 : i64, scratch_operands = 6 : i64, tpu.core_type = #tpu.core_type<tc>, window_params = [{pipeline_mode = #tpu.pipeline_mode<synchronous>, transform_indices = @transform_0, window_bounds = array<i64: 1024, 1024>}, {pipeline_mode = #tpu.pipeline_mode<synchronous>, transform_indices = @transform_1, window_bounds = array<i64: 1024, 1024>}, {pipeline_mode = #tpu.pipeline_mode<synchronous>, transform_indices = @transform_2, window_bounds = array<i64: 1, 1024>}, {pipeline_mode = #tpu.pipeline_mode<synchronous>, transform_indices = @transform_3, window_bounds = array<i64: 1024, 16>}, {pipeline_mode = #tpu.pipeline_mode<synchronous>, transform_indices = @transform_4, window_bounds = array<i64: 1, 16>}, {transform_indices = @transform_5, window_bounds = array<i64: 1, 1024, 2048>}, {transform_indices = @transform_6, window_bounds = array<i64: 1, 1, 2048>}, {transform_indices = @transform_7, window_bounds = array<i64: 1, 2048, 1024>}, {transform_indices = @transform_8, window_bounds = array<i64: 1, 1, 1024>}, {transform_indices = @transform_9, window_bounds = array<i64: 1, 1, 1024>}, {pipeline_mode = #tpu.pipeline_mode<synchronous>, transform_indices = @transform_10, window_bounds = array<i64: 1024, 16>}, {pipeline_mode = #tpu.pipeline_mode<synchronous>, transform_indices = @transform_11, window_bounds = array<i64: 1, 16>}, {transform_indices = @transform_12, window_bounds = array<i64: 1, 1>}, {pipeline_mode = #tpu.pipeline_mode<synchronous>, transform_indices = @transform_13, window_bounds = array<i64: 1024, 16>}, {pipeline_mode = #tpu.pipeline_mode<synchronous>, transform_indices = @transform_14, window_bounds = array<i64: 1, 1>}]} {
    %eq3A = arith.constant 0 : i32
    %eq3A_0 = arith.cmpi eq, %arg0, %eq3A : i32
    %eq3A_1 = arith.constant 0 : i32
    %eq3A_2 = arith.cmpi eq, %arg1, %eq3A_1 : i32
    %and3A = arith.andi %eq3A_0, %eq3A_2 : i1
    %convert_element_type3A = arith.extui %and3A : i1 to i32
    %cond3A = arith.constant 0 : i32
    %cond3A_3 = arith.cmpi ne, %convert_element_type3A, %cond3A : i32
    scf.if %cond3A_3 {
      %get3A = arith.constant 0 : index
      %get3A_13 = arith.constant 0 : index
      %get3A_14 = vector.load %arg2[%get3A, %get3A_13] : memref<1024x1024xf32, #tpu.memory_space<vmem>>, vector<1024x1024xf32>
      %swap3A = arith.constant 0 : index
      %swap3A_15 = arith.constant 0 : index
      %swap3A_16 = vector.load %arg17[%swap3A, %swap3A_15] : memref<1024x1024xf32, #tpu.memory_space<vmem>>, vector<1024x1024xf32>
      tpu.vector_store %arg17[%swap3A, %swap3A_15], %get3A_14 {strides = array<i32>} : memref<1024x1024xf32, #tpu.memory_space<vmem>>, vector<1024x1024xf32>,
      %broadcast_in_dim3A = arith.constant 0.000000e+00 : f32
      %broadcast_in_dim3A_17 = vector.broadcast %broadcast_in_dim3A : f32 to vector<1024x16xf32>
      %swap3A_18 = arith.constant 0 : index
      %swap3A_19 = arith.constant 0 : index
      %swap3A_20 = vector.load %arg19[%swap3A_18, %swap3A_19] : memref<1024x16xf32, #tpu.memory_space<vmem>>, vector<1024x16xf32>
      tpu.vector_store %arg19[%swap3A_18, %swap3A_19], %broadcast_in_dim3A_17 {strides = array<i32>} : memref<1024x16xf32, #tpu.memory_space<vmem>>, vector<1024x16xf32>,
      %broadcast_in_dim3A_21 = arith.constant 1.000000e+00 : f32
      %broadcast_in_dim3A_22 = vector.broadcast %broadcast_in_dim3A_21 : f32 to vector<1024x1xf32>
      %swap3A_23 = arith.constant 0 : index
      %swap3A_24 = arith.constant 0 : index
      %swap3A_25 = vector.load %arg21[%swap3A_23, %swap3A_24] : memref<1024x1xf32, #tpu.memory_space<vmem>>, vector<1024x1xf32>
      tpu.vector_store %arg21[%swap3A_23, %swap3A_24], %broadcast_in_dim3A_22 {strides = array<i32>} : memref<1024x1xf32, #tpu.memory_space<vmem>>, vector<1024x1xf32>,
      %swap3A_26 = arith.constant 0.000000e+00 : f32
      %swap3A_27 = arith.constant 0 : index
      %swap3A_28 = arith.constant 0 : index
      %swap3A_29 = memref.load %arg22[%swap3A_27, %swap3A_28] : memref<1x1xf32, #tpu.memory_space<smem>>
      memref.store %swap3A_26, %arg22[%swap3A_27, %swap3A_28] : memref<1x1xf32, #tpu.memory_space<smem>>
    } else {
    }
    %eq3A_4 = arith.constant 0 : i32
    %eq3A_5 = arith.cmpi eq, %arg1, %eq3A_4 : i32
    %convert_element_type3A_6 = arith.extui %eq3A_5 : i1 to i32
    %cond3A_7 = arith.constant 0 : i32
    %cond3A_8 = arith.cmpi ne, %convert_element_type3A_6, %cond3A_7 : i32
    scf.if %cond3A_8 {
      %get3A = arith.constant 0 : index
      %get3A_13 = arith.constant 0 : index
      %get3A_14 = vector.load %arg17[%get3A, %get3A_13] : memref<1024x1024xf32, #tpu.memory_space<vmem>>, vector<1024x1024xf32>
      %get3A_15 = arith.constant 0 : index
      %get3A_16 = arith.constant 0 : index
      %get3A_17 = vector.load %arg3[%get3A_15, %get3A_16] : memref<1024x1024xf32, #tpu.memory_space<vmem>>, vector<1024x1024xf32>
      %dot_general3A = arith.constant dense<0.000000e+00> : vector<1024x1024xf32>
      %dot_general3A_18 = tpu.matmul %get3A_14, %get3A_17, %dot_general3A {dimension_numbers = #tpu.dot_dimension_numbers<[1], [0], [0], [1], [0, 0, 1, 1], [], []>, transpose_lhs_hint = false} : vector<1024x1024xf32>, vector<1024x1024xf32>, vector<1024x1024xf32> -> vector<1024x1024xf32>
      %get3A_19 = arith.constant 0 : index
      %get3A_20 = arith.constant 0 : index
      %get3A_21 = vector.load %arg4[%get3A_19, %get3A_20] : memref<1x1024xf32, #tpu.memory_space<vmem>>, vector<1x1024xf32>
      %add3A = vector.broadcast %get3A_21 : vector<1x1024xf32> to vector<1024x1024xf32>
      %add3A_22 = arith.addf %dot_general3A_18, %add3A : vector<1024x1024xf32>
      %max3A = arith.constant 0.000000e+00 : f32
      %max3A_23 = vector.broadcast %max3A : f32 to vector<1024x1024xf32>
      %max3A_24 = arith.maximumf %add3A_22, %max3A_23 : vector<1024x1024xf32>
      %get3A_25 = arith.constant 0 : index
      %get3A_26 = arith.constant 0 : index
      %get3A_27 = vector.load %arg5[%get3A_25, %get3A_26] : memref<1024x16xf32, #tpu.memory_space<vmem>>, vector<1024x16xf32>
      %dot_general3A_28 = arith.constant dense<0.000000e+00> : vector<1024x16xf32>
      %dot_general3A_29 = tpu.matmul %max3A_24, %get3A_27, %dot_general3A_28 {dimension_numbers = #tpu.dot_dimension_numbers<[1], [0], [0], [1], [0, 0, 1, 1], [], []>, transpose_lhs_hint = false} : vector<1024x1024xf32>, vector<1024x16xf32>, vector<1024x16xf32> -> vector<1024x16xf32>
      %get3A_30 = arith.constant 0 : index
      %get3A_31 = arith.constant 0 : index
      %get3A_32 = vector.load %arg6[%get3A_30, %get3A_31] : memref<1x16xf32, #tpu.memory_space<vmem>>, vector<1x16xf32>
      %add3A_33 = vector.broadcast %get3A_32 : vector<1x16xf32> to vector<1024x16xf32>
      %add3A_34 = arith.addf %dot_general3A_29, %add3A_33 : vector<1024x16xf32>
      %get3A_35 = arith.constant 0 : index
      %get3A_36 = arith.constant 0 : index
      %get3A_37 = vector.load %arg19[%get3A_35, %get3A_36] : memref<1024x16xf32, #tpu.memory_space<vmem>>, vector<1024x16xf32>
      %ge3A = arith.constant 1.000000e+00 : f32
      %ge3A_38 = vector.broadcast %ge3A : f32 to vector<1024x16xf32>
      %ge3A_39 = arith.cmpf oge, %get3A_37, %ge3A_38 : vector<1024x16xf32>
      %jit3A = arith.constant 0xFF800000 : f32
      %broadcast_in_dim3A = vector.broadcast %jit3A : f32 to vector<1024x16xf32>
      %select_n3A = arith.select %ge3A_39, %broadcast_in_dim3A, %add3A_34 : vector<1024x16xi1>, vector<1024x16xf32>
      %reduce_max3A = arith.constant dense<0xFF800000> : vector<1024xf32>
      %reduce_max3A_40 = vector.multi_reduction <maximumf>, %select_n3A, %reduce_max3A [1] : vector<1024x16xf32> to vector<1024xf32>
      %broadcast_in_dim3A_41 = vector.shape_cast %reduce_max3A_40 : vector<1024xf32> to vector<1024x1xf32>
      %sub3A = vector.broadcast %broadcast_in_dim3A_41 : vector<1024x1xf32> to vector<1024x16xf32>
      %sub3A_42 = arith.subf %select_n3A, %sub3A : vector<1024x16xf32>
      %exp3A = math.exp %sub3A_42 : vector<1024x16xf32>
      %reduce_sum3A = arith.constant dense<0.000000e+00> : vector<1024xf32>
      %reduce_sum3A_43 = vector.multi_reduction <add>, %exp3A, %reduce_sum3A [1] : vector<1024x16xf32> to vector<1024xf32>
      %broadcast_in_dim3A_44 = vector.shape_cast %reduce_sum3A_43 : vector<1024xf32> to vector<1024x1xf32>
      %div3A = vector.broadcast %broadcast_in_dim3A_44 : vector<1024x1xf32> to vector<1024x16xf32>
      %div3A_45 = arith.divf %exp3A, %div3A : vector<1024x16xf32>
      %add3A_46 = arith.constant 9.99999971E-10 : f32
      %add3A_47 = vector.broadcast %add3A_46 : f32 to vector<1024x16xf32>
      %add3A_48 = arith.addf %div3A_45, %add3A_47 : vector<1024x16xf32>
      %log3A = math.log %add3A_48 : vector<1024x16xf32>
      %mul3A = arith.mulf %div3A_45, %log3A : vector<1024x16xf32>
      %reduce_sum3A_49 = arith.constant dense<0.000000e+00> : vector<1024xf32>
      %reduce_sum3A_50 = vector.multi_reduction <add>, %mul3A, %reduce_sum3A_49 [1] : vector<1024x16xf32> to vector<1024xf32>
      %neg3A = arith.constant 0.000000e+00 : f32
      %neg3A_51 = vector.broadcast %neg3A : f32 to vector<1024xf32>
      %neg3A_52 = arith.subf %neg3A_51, %reduce_sum3A_50 : vector<1024xf32>
      %get3A_53 = arith.constant 0 : index
      %get3A_54 = arith.constant 0 : index
      %get3A_55 = vector.load %arg21[%get3A_53, %get3A_54] : memref<1024x1xf32, #tpu.memory_space<vmem>>, vector<1024x1xf32>
      %squeeze3A = vector.shape_cast %get3A_55 : vector<1024x1xf32> to vector<1024xf32>
      %reduce_sum3A_56 = vector.shape_cast %squeeze3A : vector<1024xf32> to vector<1x1024xf32>
      %reduce_sum3A_57 = arith.constant dense<0.000000e+00> : vector<1xf32>
      %reduce_sum3A_58 = vector.multi_reduction <add>, %reduce_sum3A_56, %reduce_sum3A_57 [1] : vector<1x1024xf32> to vector<1xf32>
      %reduce_sum3A_59 = vector.shape_cast %reduce_sum3A_58 : vector<1xf32> to vector<1x1xf32>
      %reduce_sum3A_60 = vector.extract %reduce_sum3A_59[0, 0] : f32 from vector<1x1xf32>
      %mul3A_61 = arith.mulf %neg3A_52, %squeeze3A : vector<1024xf32>
      %reduce_sum3A_62 = vector.shape_cast %mul3A_61 : vector<1024xf32> to vector<1x1024xf32>
      %reduce_sum3A_63 = arith.constant dense<0.000000e+00> : vector<1xf32>
      %reduce_sum3A_64 = vector.multi_reduction <add>, %reduce_sum3A_62, %reduce_sum3A_63 [1] : vector<1x1024xf32> to vector<1xf32>
      %reduce_sum3A_65 = vector.shape_cast %reduce_sum3A_64 : vector<1xf32> to vector<1x1xf32>
      %reduce_sum3A_66 = vector.extract %reduce_sum3A_65[0, 0] : f32 from vector<1x1xf32>
      %max3A_67 = arith.constant 1.000000e+00 : f32
      %max3A_68 = arith.maximumf %reduce_sum3A_60, %max3A_67 : f32
      %div3A_69 = arith.divf %reduce_sum3A_66, %max3A_68 : f32
      %get3A_70 = arith.constant 0 : index
      %get3A_71 = arith.constant 0 : index
      %get3A_72 = memref.load %arg22[%get3A_70, %get3A_71] : memref<1x1xf32, #tpu.memory_space<smem>>
      %gt3A_73 = arith.constant 0.000000e+00 : f32
      %gt3A_74 = arith.cmpf ogt, %reduce_sum3A_60, %gt3A_73 : f32
      %jit3A_75 = arith.constant 0.000000e+00 : f32
      %select_n3A_76 = arith.select %gt3A_74, %div3A_69, %jit3A_75 : f32
      %add3A_77 = arith.addf %get3A_72, %select_n3A_76 : f32
      %swap3A = arith.constant 0 : index
      %swap3A_78 = arith.constant 0 : index
      %swap3A_79 = memref.load %arg22[%swap3A, %swap3A_78] : memref<1x1xf32, #tpu.memory_space<smem>>
      memref.store %add3A_77, %arg22[%swap3A, %swap3A_78] : memref<1x1xf32, #tpu.memory_space<smem>>
      %argmax3A = tpu.reduce_index %select_n3A {axis = 1 : i32, kind = #tpu.reduction_kind<arg_max>} : vector<1024x16xf32> -> vector<1024xi32>
      %min3A = arith.constant 7 : i32
      %min3A_80 = vector.broadcast %min3A : i32 to vector<1024xi32>
      %min3A_81 = arith.minsi %argmax3A, %min3A_80 : vector<1024xi32>
      %gt3A_82 = arith.constant 0.000000e+00 : f32
      %gt3A_83 = vector.broadcast %gt3A_82 : f32 to vector<1024xf32>
      %gt3A_84 = arith.cmpf ogt, %squeeze3A, %gt3A_83 : vector<1024xf32>
      %ne3A = arith.constant 8 : i32
      %ne3A_85 = vector.broadcast %ne3A : i32 to vector<1024xi32>
      %ne3A_86 = arith.cmpi ne, %argmax3A, %ne3A_85 : vector<1024xi32>
      %and3A_87 = arith.andi %gt3A_84, %ne3A_86 : vector<1024xi1>
      %convert_element_type3A_88 = arith.extui %and3A_87 : vector<1024xi1> to vector<1024xi32>
      %convert_element_type3A_89 = arith.sitofp %convert_element_type3A_88 : vector<1024xi32> to vector<1024xf32>
      %broadcast_in_dim3A_90 = vector.shape_cast %min3A_81 : vector<1024xi32> to vector<1024x1xi32>
      %swap3A_91 = arith.constant 0 : index
      %swap3A_92 = arith.constant 0 : index
      %swap3A_93 = vector.load %arg20[%swap3A_91, %swap3A_92] : memref<1024x1xi32, #tpu.memory_space<vmem>>, vector<1024x1xi32>
      tpu.vector_store %arg20[%swap3A_91, %swap3A_92], %broadcast_in_dim3A_90 {strides = array<i32>} : memref<1024x1xi32, #tpu.memory_space<vmem>>, vector<1024x1xi32>,
      %broadcast_in_dim3A_94 = vector.shape_cast %convert_element_type3A_89 : vector<1024xf32> to vector<1024x1xf32>
      %swap3A_95 = arith.constant 0 : index
      %swap3A_96 = arith.constant 0 : index
      %swap3A_97 = vector.load %arg21[%swap3A_95, %swap3A_96] : memref<1024x1xf32, #tpu.memory_space<vmem>>, vector<1024x1xf32>
      tpu.vector_store %arg21[%swap3A_95, %swap3A_96], %broadcast_in_dim3A_94 {strides = array<i32>} : memref<1024x1xf32, #tpu.memory_space<vmem>>, vector<1024x1xf32>,
      %iota3A = tpu.iota {dimensions = array<i32: 1>} : vector<1024x16xi32>
      %broadcast_in_dim3A_98 = vector.shape_cast %min3A_81 : vector<1024xi32> to vector<1024x1xi32>
      %eq3A_99 = vector.broadcast %broadcast_in_dim3A_98 : vector<1024x1xi32> to vector<1024x16xi32>
      %eq3A_100 = arith.cmpi eq, %iota3A, %eq3A_99 : vector<1024x16xi32>
      %broadcast_in_dim3A_101 = vector.shape_cast %and3A_87 : vector<1024xi1> to vector<1024x1xi1>
      %and3A_102 = vector.broadcast %broadcast_in_dim3A_101 : vector<1024x1xi1> to vector<1024x16xi1>
      %and3A_103 = arith.andi %eq3A_100, %and3A_102 : vector<1024x16xi1>
      %convert_element_type3A_104 = arith.extui %and3A_103 : vector<1024x16xi1> to vector<1024x16xi32>
      %convert_element_type3A_105 = arith.sitofp %convert_element_type3A_104 : vector<1024x16xi32> to vector<1024x16xf32>
      %get3A_106 = arith.constant 0 : index
      %get3A_107 = arith.constant 0 : index
      %get3A_108 = vector.load %arg19[%get3A_106, %get3A_107] : memref<1024x16xf32, #tpu.memory_space<vmem>>, vector<1024x16xf32>
      %add3A_109 = arith.addf %get3A_108, %convert_element_type3A_105 : vector<1024x16xf32>
      %swap3A_110 = arith.constant 0 : index
      %swap3A_111 = arith.constant 0 : index
      %swap3A_112 = vector.load %arg19[%swap3A_110, %swap3A_111] : memref<1024x16xf32, #tpu.memory_space<vmem>>, vector<1024x16xf32>
      tpu.vector_store %arg19[%swap3A_110, %swap3A_111], %add3A_109 {strides = array<i32>} : memref<1024x16xf32, #tpu.memory_space<vmem>>, vector<1024x16xf32>,
      %broadcast_in_dim3A_113 = arith.constant 0.000000e+00 : f32
      %broadcast_in_dim3A_114 = vector.broadcast %broadcast_in_dim3A_113 : f32 to vector<1024x1024xf32>
      %swap3A_115 = arith.constant 0 : index
      %swap3A_116 = arith.constant 0 : index
      %swap3A_117 = vector.load %arg18[%swap3A_115, %swap3A_116] : memref<1024x1024xf32, #tpu.memory_space<vmem>>, vector<1024x1024xf32>
      tpu.vector_store %arg18[%swap3A_115, %swap3A_116], %broadcast_in_dim3A_114 {strides = array<i32>} : memref<1024x1024xf32, #tpu.memory_space<vmem>>, vector<1024x1024xf32>,
    } else {
    }
    %gt3A = arith.constant 0 : i32
    %gt3A_9 = arith.cmpi sgt, %arg1, %gt3A : i32
    %convert_element_type3A_10 = arith.extui %gt3A_9 : i1 to i32
    %cond3A_11 = arith.constant 0 : i32
    %cond3A_12 = arith.cmpi ne, %convert_element_type3A_10, %cond3A_11 : i32
    scf.if %cond3A_12 {
      %sub3A = arith.constant 1 : i32
      %sub3A_13 = arith.subi %arg1, %sub3A : i32
      %get3A = arith.constant 0 : index
      %get3A_14 = arith.constant 0 : index
      %get3A_15 = vector.load %arg20[%get3A, %get3A_14] : memref<1024x1xi32, #tpu.memory_space<vmem>>, vector<1024x1xi32>
      %eq3A_16 = vector.broadcast %sub3A_13 : i32 to vector<1024x1xi32>
      %eq3A_17 = arith.cmpi eq, %get3A_15, %eq3A_16 : vector<1024x1xi32>
      %get3A_18 = arith.constant 0 : index
      %get3A_19 = arith.constant 0 : index
      %get3A_20 = vector.load %arg21[%get3A_18, %get3A_19] : memref<1024x1xf32, #tpu.memory_space<vmem>>, vector<1024x1xf32>
      %gt3A_21 = arith.constant 0.000000e+00 : f32
      %gt3A_22 = vector.broadcast %gt3A_21 : f32 to vector<1024x1xf32>
      %gt3A_23 = arith.cmpf ogt, %get3A_20, %gt3A_22 : vector<1024x1xf32>
      %and3A_24 = arith.andi %eq3A_17, %gt3A_23 : vector<1024x1xi1>
      %reduce_or3A = arith.constant 1.000000e+00 : f32
      %reduce_or3A_25 = arith.constant 0.000000e+00 : f32
      %reduce_or3A_26 = vector.broadcast %reduce_or3A : f32 to vector<1024x1xf32>
      %reduce_or3A_27 = vector.broadcast %reduce_or3A_25 : f32 to vector<1024x1xf32>
      %reduce_or3A_28 = arith.select %and3A_24, %reduce_or3A_26, %reduce_or3A_27 : vector<1024x1xi1>, vector<1024x1xf32>
      %reduce_or3A_29 = vector.shape_cast %reduce_or3A_28 : vector<1024x1xf32> to vector<1x1024x1xf32>
      %reduce_or3A_30 = arith.constant dense<0xFF800000> : vector<1xf32>
      %reduce_or3A_31 = vector.multi_reduction <maximumf>, %reduce_or3A_29, %reduce_or3A_30 [1, 2] : vector<1x1024x1xf32> to vector<1xf32>
      %reduce_or3A_32 = vector.shape_cast %reduce_or3A_31 : vector<1xf32> to vector<1x1x1xf32>
      %reduce_or3A_33 = vector.extract %reduce_or3A_32[0, 0, 0] : f32 from vector<1x1x1xf32>
      %reduce_or3A_34 = arith.constant 0.000000e+00 : f32
      %reduce_or3A_35 = arith.cmpf ogt, %reduce_or3A_33, %reduce_or3A_34 : f32
      %convert_element_type3A_36 = arith.extui %reduce_or3A_35 : i1 to i32
      %cond3A_37 = arith.constant 0 : i32
      %cond3A_38 = arith.cmpi ne, %convert_element_type3A_36, %cond3A_37 : i32
      scf.if %cond3A_38 {
        %get3A_44 = arith.constant 0 : index
        %get3A_45 = arith.constant 0 : index
        %get3A_46 = memref.load %arg14[%get3A_44, %get3A_45] : memref<1x1xf32, #tpu.memory_space<smem>>
        %get3A_47 = arith.constant 0 : index
        %get3A_48 = arith.constant 0 : index
        %get3A_49 = vector.load %arg17[%get3A_47, %get3A_48] : memref<1024x1024xf32, #tpu.memory_space<vmem>>, vector<1024x128xf32>
        %get3A_50 = arith.constant 0 : index
        %get3A_51 = arith.constant 0 : index
        %get3A_52 = arith.constant 0 : index
        %get3A_53 = vector.load %arg7[%get3A_50, %get3A_51, %get3A_52] : memref<1x1024x2048xf32, #tpu.memory_space<vmem>>, vector<1x1024x2048xf32>
        %get3A_54 = vector.shape_cast %get3A_53 : vector<1x1024x2048xf32> to vector<1024x2048xf32>
        %slice3A = vector.extract_strided_slice %get3A_54 {offsets = [0, 0], sizes = [128, 1024], strides = [1, 1]} : vector<1024x2048xf32> to vector<128x1024xf32>
        %dot_general3A = arith.constant dense<0.000000e+00> : vector<1024x1024xf32>
        %dot_general3A_55 = tpu.matmul %get3A_49, %slice3A, %dot_general3A {dimension_numbers = #tpu.dot_dimension_numbers<[1], [0], [0], [1], [0, 0, 1, 1], [], []>, transpose_lhs_hint = false} : vector<1024x128xf32>, vector<128x1024xf32>, vector<1024x1024xf32> -> vector<1024x1024xf32>
        %mul3A = vector.broadcast %get3A_46 : f32 to vector<1024x1024xf32>
        %mul3A_56 = arith.mulf %dot_general3A_55, %mul3A : vector<1024x1024xf32>
        %get3A_57 = arith.constant 0 : index
        %get3A_58 = arith.constant 128 : index
        %get3A_59 = vector.load %arg17[%get3A_57, %get3A_58] : memref<1024x1024xf32, #tpu.memory_space<vmem>>, vector<1024x128xf32>
        %get3A_60 = arith.constant 0 : index
        %get3A_61 = arith.constant 0 : index
        %get3A_62 = arith.constant 0 : index
        %get3A_63 = vector.load %arg7[%get3A_60, %get3A_61, %get3A_62] : memref<1x1024x2048xf32, #tpu.memory_space<vmem>>, vector<1x1024x2048xf32>
        %get3A_64 = vector.shape_cast %get3A_63 : vector<1x1024x2048xf32> to vector<1024x2048xf32>
        %slice3A_65 = vector.extract_strided_slice %get3A_64 {offsets = [128, 0], sizes = [128, 1024], strides = [1, 1]} : vector<1024x2048xf32> to vector<128x1024xf32>
        %dot_general3A_66 = arith.constant dense<0.000000e+00> : vector<1024x1024xf32>
        %dot_general3A_67 = tpu.matmul %get3A_59, %slice3A_65, %dot_general3A_66 {dimension_numbers = #tpu.dot_dimension_numbers<[1], [0], [0], [1], [0, 0, 1, 1], [], []>, transpose_lhs_hint = false} : vector<1024x128xf32>, vector<128x1024xf32>, vector<1024x1024xf32> -> vector<1024x1024xf32>
        %mul3A_68 = vector.broadcast %get3A_46 : f32 to vector<1024x1024xf32>
        %mul3A_69 = arith.mulf %dot_general3A_67, %mul3A_68 : vector<1024x1024xf32>
        %add3A = arith.addf %mul3A_56, %mul3A_69 : vector<1024x1024xf32>
        %get3A_70 = arith.constant 0 : index
        %get3A_71 = arith.constant 256 : index
        %get3A_72 = vector.load %arg17[%get3A_70, %get3A_71] : memref<1024x1024xf32, #tpu.memory_space<vmem>>, vector<1024x128xf32>
        %get3A_73 = arith.constant 0 : index
        %get3A_74 = arith.constant 0 : index
        %get3A_75 = arith.constant 0 : index
        %get3A_76 = vector.load %arg7[%get3A_73, %get3A_74, %get3A_75] : memref<1x1024x2048xf32, #tpu.memory_space<vmem>>, vector<1x1024x2048xf32>
        %get3A_77 = vector.shape_cast %get3A_76 : vector<1x1024x2048xf32> to vector<1024x2048xf32>
        %slice3A_78 = vector.extract_strided_slice %get3A_77 {offsets = [256, 0], sizes = [128, 1024], strides = [1, 1]} : vector<1024x2048xf32> to vector<128x1024xf32>
        %dot_general3A_79 = arith.constant dense<0.000000e+00> : vector<1024x1024xf32>
        %dot_general3A_80 = tpu.matmul %get3A_72, %slice3A_78, %dot_general3A_79 {dimension_numbers = #tpu.dot_dimension_numbers<[1], [0], [0], [1], [0, 0, 1, 1], [], []>, transpose_lhs_hint = false} : vector<1024x128xf32>, vector<128x1024xf32>, vector<1024x1024xf32> -> vector<1024x1024xf32>
        %mul3A_81 = vector.broadcast %get3A_46 : f32 to vector<1024x1024xf32>
        %mul3A_82 = arith.mulf %dot_general3A_80, %mul3A_81 : vector<1024x1024xf32>
        %add3A_83 = arith.addf %add3A, %mul3A_82 : vector<1024x1024xf32>
        %get3A_84 = arith.constant 0 : index
        %get3A_85 = arith.constant 384 : index
        %get3A_86 = vector.load %arg17[%get3A_84, %get3A_85] : memref<1024x1024xf32, #tpu.memory_space<vmem>>, vector<1024x128xf32>
        %get3A_87 = arith.constant 0 : index
        %get3A_88 = arith.constant 0 : index
        %get3A_89 = arith.constant 0 : index
        %get3A_90 = vector.load %arg7[%get3A_87, %get3A_88, %get3A_89] : memref<1x1024x2048xf32, #tpu.memory_space<vmem>>, vector<1x1024x2048xf32>
        %get3A_91 = vector.shape_cast %get3A_90 : vector<1x1024x2048xf32> to vector<1024x2048xf32>
        %slice3A_92 = vector.extract_strided_slice %get3A_91 {offsets = [384, 0], sizes = [128, 1024], strides = [1, 1]} : vector<1024x2048xf32> to vector<128x1024xf32>
        %dot_general3A_93 = arith.constant dense<0.000000e+00> : vector<1024x1024xf32>
        %dot_general3A_94 = tpu.matmul %get3A_86, %slice3A_92, %dot_general3A_93 {dimension_numbers = #tpu.dot_dimension_numbers<[1], [0], [0], [1], [0, 0, 1, 1], [], []>, transpose_lhs_hint = false} : vector<1024x128xf32>, vector<128x1024xf32>, vector<1024x1024xf32> -> vector<1024x1024xf32>
        %mul3A_95 = vector.broadcast %get3A_46 : f32 to vector<1024x1024xf32>
        %mul3A_96 = arith.mulf %dot_general3A_94, %mul3A_95 : vector<1024x1024xf32>
        %add3A_97 = arith.addf %add3A_83, %mul3A_96 : vector<1024x1024xf32>
        %get3A_98 = arith.constant 0 : index
        %get3A_99 = arith.constant 512 : index
        %get3A_100 = vector.load %arg17[%get3A_98, %get3A_99] : memref<1024x1024xf32, #tpu.memory_space<vmem>>, vector<1024x128xf32>
        %get3A_101 = arith.constant 0 : index
        %get3A_102 = arith.constant 0 : index
        %get3A_103 = arith.constant 0 : index
        %get3A_104 = vector.load %arg7[%get3A_101, %get3A_102, %get3A_103] : memref<1x1024x2048xf32, #tpu.memory_space<vmem>>, vector<1x1024x2048xf32>
        %get3A_105 = vector.shape_cast %get3A_104 : vector<1x1024x2048xf32> to vector<1024x2048xf32>
        %slice3A_106 = vector.extract_strided_slice %get3A_105 {offsets = [512, 0], sizes = [128, 1024], strides = [1, 1]} : vector<1024x2048xf32> to vector<128x1024xf32>
        %dot_general3A_107 = arith.constant dense<0.000000e+00> : vector<1024x1024xf32>
        %dot_general3A_108 = tpu.matmul %get3A_100, %slice3A_106, %dot_general3A_107 {dimension_numbers = #tpu.dot_dimension_numbers<[1], [0], [0], [1], [0, 0, 1, 1], [], []>, transpose_lhs_hint = false} : vector<1024x128xf32>, vector<128x1024xf32>, vector<1024x1024xf32> -> vector<1024x1024xf32>
        %mul3A_109 = vector.broadcast %get3A_46 : f32 to vector<1024x1024xf32>
        %mul3A_110 = arith.mulf %dot_general3A_108, %mul3A_109 : vector<1024x1024xf32>
        %add3A_111 = arith.addf %add3A_97, %mul3A_110 : vector<1024x1024xf32>
        %get3A_112 = arith.constant 0 : index
        %get3A_113 = arith.constant 640 : index
        %get3A_114 = vector.load %arg17[%get3A_112, %get3A_113] : memref<1024x1024xf32, #tpu.memory_space<vmem>>, vector<1024x128xf32>
        %get3A_115 = arith.constant 0 : index
        %get3A_116 = arith.constant 0 : index
        %get3A_117 = arith.constant 0 : index
        %get3A_118 = vector.load %arg7[%get3A_115, %get3A_116, %get3A_117] : memref<1x1024x2048xf32, #tpu.memory_space<vmem>>, vector<1x1024x2048xf32>
        %get3A_119 = vector.shape_cast %get3A_118 : vector<1x1024x2048xf32> to vector<1024x2048xf32>
        %slice3A_120 = vector.extract_strided_slice %get3A_119 {offsets = [640, 0], sizes = [128, 1024], strides = [1, 1]} : vector<1024x2048xf32> to vector<128x1024xf32>
        %dot_general3A_121 = arith.constant dense<0.000000e+00> : vector<1024x1024xf32>
        %dot_general3A_122 = tpu.matmul %get3A_114, %slice3A_120, %dot_general3A_121 {dimension_numbers = #tpu.dot_dimension_numbers<[1], [0], [0], [1], [0, 0, 1, 1], [], []>, transpose_lhs_hint = false} : vector<1024x128xf32>, vector<128x1024xf32>, vector<1024x1024xf32> -> vector<1024x1024xf32>
        %mul3A_123 = vector.broadcast %get3A_46 : f32 to vector<1024x1024xf32>
        %mul3A_124 = arith.mulf %dot_general3A_122, %mul3A_123 : vector<1024x1024xf32>
        %add3A_125 = arith.addf %add3A_111, %mul3A_124 : vector<1024x1024xf32>
        %get3A_126 = arith.constant 0 : index
        %get3A_127 = arith.constant 768 : index
        %get3A_128 = vector.load %arg17[%get3A_126, %get3A_127] : memref<1024x1024xf32, #tpu.memory_space<vmem>>, vector<1024x128xf32>
        %get3A_129 = arith.constant 0 : index
        %get3A_130 = arith.constant 0 : index
        %get3A_131 = arith.constant 0 : index
        %get3A_132 = vector.load %arg7[%get3A_129, %get3A_130, %get3A_131] : memref<1x1024x2048xf32, #tpu.memory_space<vmem>>, vector<1x1024x2048xf32>
        %get3A_133 = vector.shape_cast %get3A_132 : vector<1x1024x2048xf32> to vector<1024x2048xf32>
        %slice3A_134 = vector.extract_strided_slice %get3A_133 {offsets = [768, 0], sizes = [128, 1024], strides = [1, 1]} : vector<1024x2048xf32> to vector<128x1024xf32>
        %dot_general3A_135 = arith.constant dense<0.000000e+00> : vector<1024x1024xf32>
        %dot_general3A_136 = tpu.matmul %get3A_128, %slice3A_134, %dot_general3A_135 {dimension_numbers = #tpu.dot_dimension_numbers<[1], [0], [0], [1], [0, 0, 1, 1], [], []>, transpose_lhs_hint = false} : vector<1024x128xf32>, vector<128x1024xf32>, vector<1024x1024xf32> -> vector<1024x1024xf32>
        %mul3A_137 = vector.broadcast %get3A_46 : f32 to vector<1024x1024xf32>
        %mul3A_138 = arith.mulf %dot_general3A_136, %mul3A_137 : vector<1024x1024xf32>
        %add3A_139 = arith.addf %add3A_125, %mul3A_138 : vector<1024x1024xf32>
        %get3A_140 = arith.constant 0 : index
        %get3A_141 = arith.constant 896 : index
        %get3A_142 = vector.load %arg17[%get3A_140, %get3A_141] : memref<1024x1024xf32, #tpu.memory_space<vmem>>, vector<1024x128xf32>
        %get3A_143 = arith.constant 0 : index
        %get3A_144 = arith.constant 0 : index
        %get3A_145 = arith.constant 0 : index
        %get3A_146 = vector.load %arg7[%get3A_143, %get3A_144, %get3A_145] : memref<1x1024x2048xf32, #tpu.memory_space<vmem>>, vector<1x1024x2048xf32>
        %get3A_147 = vector.shape_cast %get3A_146 : vector<1x1024x2048xf32> to vector<1024x2048xf32>
        %slice3A_148 = vector.extract_strided_slice %get3A_147 {offsets = [896, 0], sizes = [128, 1024], strides = [1, 1]} : vector<1024x2048xf32> to vector<128x1024xf32>
        %dot_general3A_149 = arith.constant dense<0.000000e+00> : vector<1024x1024xf32>
        %dot_general3A_150 = tpu.matmul %get3A_142, %slice3A_148, %dot_general3A_149 {dimension_numbers = #tpu.dot_dimension_numbers<[1], [0], [0], [1], [0, 0, 1, 1], [], []>, transpose_lhs_hint = false} : vector<1024x128xf32>, vector<128x1024xf32>, vector<1024x1024xf32> -> vector<1024x1024xf32>
        %mul3A_151 = vector.broadcast %get3A_46 : f32 to vector<1024x1024xf32>
        %mul3A_152 = arith.mulf %dot_general3A_150, %mul3A_151 : vector<1024x1024xf32>
        %add3A_153 = arith.addf %add3A_139, %mul3A_152 : vector<1024x1024xf32>
        %get3A_154 = arith.constant 0 : index
        %get3A_155 = arith.constant 0 : index
        %get3A_156 = arith.constant 0 : index
        %get3A_157 = vector.load %arg8[%get3A_154, %get3A_155, %get3A_156] : memref<1x1x2048xf32, #tpu.memory_space<vmem>>, vector<1x1x2048xf32>
        %get3A_158 = vector.shape_cast %get3A_157 : vector<1x1x2048xf32> to vector<1x2048xf32>
        %slice3A_159 = vector.extract_strided_slice %get3A_158 {offsets = [0, 0], sizes = [1, 1024], strides = [1, 1]} : vector<1x2048xf32> to vector<1x1024xf32>
        %add3A_160 = vector.broadcast %slice3A_159 : vector<1x1024xf32> to vector<1024x1024xf32>
        %add3A_161 = arith.addf %add3A_153, %add3A_160 : vector<1024x1024xf32>
        %max3A = arith.constant 0.000000e+00 : f32
        %max3A_162 = vector.broadcast %max3A : f32 to vector<1024x1024xf32>
        %max3A_163 = arith.maximumf %add3A_161, %max3A_162 : vector<1024x1024xf32>
        %slice3A_164 = vector.extract_strided_slice %max3A_163 {offsets = [0, 0], sizes = [1024, 128], strides = [1, 1]} : vector<1024x1024xf32> to vector<1024x128xf32>
        %get3A_165 = arith.constant 0 : index
        %get3A_166 = arith.constant 0 : index
        %get3A_167 = arith.constant 0 : index
        %get3A_168 = vector.load %arg9[%get3A_165, %get3A_166, %get3A_167] : memref<1x2048x1024xf32, #tpu.memory_space<vmem>>, vector<1x2048x1024xf32>
        %get3A_169 = vector.shape_cast %get3A_168 : vector<1x2048x1024xf32> to vector<2048x1024xf32>
        %slice3A_170 = vector.extract_strided_slice %get3A_169 {offsets = [0, 0], sizes = [128, 1024], strides = [1, 1]} : vector<2048x1024xf32> to vector<128x1024xf32>
        %dot_general3A_171 = arith.constant dense<0.000000e+00> : vector<1024x1024xf32>
        %dot_general3A_172 = tpu.matmul %slice3A_164, %slice3A_170, %dot_general3A_171 {dimension_numbers = #tpu.dot_dimension_numbers<[1], [0], [0], [1], [0, 0, 1, 1], [], []>, transpose_lhs_hint = false} : vector<1024x128xf32>, vector<128x1024xf32>, vector<1024x1024xf32> -> vector<1024x1024xf32>
        %mul3A_173 = vector.broadcast %get3A_46 : f32 to vector<1024x1024xf32>
        %mul3A_174 = arith.mulf %dot_general3A_172, %mul3A_173 : vector<1024x1024xf32>
        %slice3A_175 = vector.extract_strided_slice %max3A_163 {offsets = [0, 128], sizes = [1024, 128], strides = [1, 1]} : vector<1024x1024xf32> to vector<1024x128xf32>
        %get3A_176 = arith.constant 0 : index
        %get3A_177 = arith.constant 0 : index
        %get3A_178 = arith.constant 0 : index
        %get3A_179 = vector.load %arg9[%get3A_176, %get3A_177, %get3A_178] : memref<1x2048x1024xf32, #tpu.memory_space<vmem>>, vector<1x2048x1024xf32>
        %get3A_180 = vector.shape_cast %get3A_179 : vector<1x2048x1024xf32> to vector<2048x1024xf32>
        %slice3A_181 = vector.extract_strided_slice %get3A_180 {offsets = [128, 0], sizes = [128, 1024], strides = [1, 1]} : vector<2048x1024xf32> to vector<128x1024xf32>
        %dot_general3A_182 = arith.constant dense<0.000000e+00> : vector<1024x1024xf32>
        %dot_general3A_183 = tpu.matmul %slice3A_175, %slice3A_181, %dot_general3A_182 {dimension_numbers = #tpu.dot_dimension_numbers<[1], [0], [0], [1], [0, 0, 1, 1], [], []>, transpose_lhs_hint = false} : vector<1024x128xf32>, vector<128x1024xf32>, vector<1024x1024xf32> -> vector<1024x1024xf32>
        %mul3A_184 = vector.broadcast %get3A_46 : f32 to vector<1024x1024xf32>
        %mul3A_185 = arith.mulf %dot_general3A_183, %mul3A_184 : vector<1024x1024xf32>
        %add3A_186 = arith.addf %mul3A_174, %mul3A_185 : vector<1024x1024xf32>
        %slice3A_187 = vector.extract_strided_slice %max3A_163 {offsets = [0, 256], sizes = [1024, 128], strides = [1, 1]} : vector<1024x1024xf32> to vector<1024x128xf32>
        %get3A_188 = arith.constant 0 : index
        %get3A_189 = arith.constant 0 : index
        %get3A_190 = arith.constant 0 : index
        %get3A_191 = vector.load %arg9[%get3A_188, %get3A_189, %get3A_190] : memref<1x2048x1024xf32, #tpu.memory_space<vmem>>, vector<1x2048x1024xf32>
        %get3A_192 = vector.shape_cast %get3A_191 : vector<1x2048x1024xf32> to vector<2048x1024xf32>
        %slice3A_193 = vector.extract_strided_slice %get3A_192 {offsets = [256, 0], sizes = [128, 1024], strides = [1, 1]} : vector<2048x1024xf32> to vector<128x1024xf32>
        %dot_general3A_194 = arith.constant dense<0.000000e+00> : vector<1024x1024xf32>
        %dot_general3A_195 = tpu.matmul %slice3A_187, %slice3A_193, %dot_general3A_194 {dimension_numbers = #tpu.dot_dimension_numbers<[1], [0], [0], [1], [0, 0, 1, 1], [], []>, transpose_lhs_hint = false} : vector<1024x128xf32>, vector<128x1024xf32>, vector<1024x1024xf32> -> vector<1024x1024xf32>
        %mul3A_196 = vector.broadcast %get3A_46 : f32 to vector<1024x1024xf32>
        %mul3A_197 = arith.mulf %dot_general3A_195, %mul3A_196 : vector<1024x1024xf32>
        %slice3A_198 = vector.extract_strided_slice %max3A_163 {offsets = [0, 384], sizes = [1024, 128], strides = [1, 1]} : vector<1024x1024xf32> to vector<1024x128xf32>
        %get3A_199 = arith.constant 0 : index
        %get3A_200 = arith.constant 0 : index
        %get3A_201 = arith.constant 0 : index
        %get3A_202 = vector.load %arg9[%get3A_199, %get3A_200, %get3A_201] : memref<1x2048x1024xf32, #tpu.memory_space<vmem>>, vector<1x2048x1024xf32>
        %get3A_203 = vector.shape_cast %get3A_202 : vector<1x2048x1024xf32> to vector<2048x1024xf32>
        %slice3A_204 = vector.extract_strided_slice %get3A_203 {offsets = [384, 0], sizes = [128, 1024], strides = [1, 1]} : vector<2048x1024xf32> to vector<128x1024xf32>
        %dot_general3A_205 = arith.constant dense<0.000000e+00> : vector<1024x1024xf32>
        %dot_general3A_206 = tpu.matmul %slice3A_198, %slice3A_204, %dot_general3A_205 {dimension_numbers = #tpu.dot_dimension_numbers<[1], [0], [0], [1], [0, 0, 1, 1], [], []>, transpose_lhs_hint = false} : vector<1024x128xf32>, vector<128x1024xf32>, vector<1024x1024xf32> -> vector<1024x1024xf32>
        %mul3A_207 = vector.broadcast %get3A_46 : f32 to vector<1024x1024xf32>
        %mul3A_208 = arith.mulf %dot_general3A_206, %mul3A_207 : vector<1024x1024xf32>
        %add3A_209 = arith.addf %mul3A_197, %mul3A_208 : vector<1024x1024xf32>
        %add3A_210 = arith.addf %add3A_186, %add3A_209 : vector<1024x1024xf32>
        %slice3A_211 = vector.extract_strided_slice %max3A_163 {offsets = [0, 512], sizes = [1024, 128], strides = [1, 1]} : vector<1024x1024xf32> to vector<1024x128xf32>
        %get3A_212 = arith.constant 0 : index
        %get3A_213 = arith.constant 0 : index
        %get3A_214 = arith.constant 0 : index
        %get3A_215 = vector.load %arg9[%get3A_212, %get3A_213, %get3A_214] : memref<1x2048x1024xf32, #tpu.memory_space<vmem>>, vector<1x2048x1024xf32>
        %get3A_216 = vector.shape_cast %get3A_215 : vector<1x2048x1024xf32> to vector<2048x1024xf32>
        %slice3A_217 = vector.extract_strided_slice %get3A_216 {offsets = [512, 0], sizes = [128, 1024], strides = [1, 1]} : vector<2048x1024xf32> to vector<128x1024xf32>
        %dot_general3A_218 = arith.constant dense<0.000000e+00> : vector<1024x1024xf32>
        %dot_general3A_219 = tpu.matmul %slice3A_211, %slice3A_217, %dot_general3A_218 {dimension_numbers = #tpu.dot_dimension_numbers<[1], [0], [0], [1], [0, 0, 1, 1], [], []>, transpose_lhs_hint = false} : vector<1024x128xf32>, vector<128x1024xf32>, vector<1024x1024xf32> -> vector<1024x1024xf32>
        %mul3A_220 = vector.broadcast %get3A_46 : f32 to vector<1024x1024xf32>
        %mul3A_221 = arith.mulf %dot_general3A_219, %mul3A_220 : vector<1024x1024xf32>
        %slice3A_222 = vector.extract_strided_slice %max3A_163 {offsets = [0, 640], sizes = [1024, 128], strides = [1, 1]} : vector<1024x1024xf32> to vector<1024x128xf32>
        %get3A_223 = arith.constant 0 : index
        %get3A_224 = arith.constant 0 : index
        %get3A_225 = arith.constant 0 : index
        %get3A_226 = vector.load %arg9[%get3A_223, %get3A_224, %get3A_225] : memref<1x2048x1024xf32, #tpu.memory_space<vmem>>, vector<1x2048x1024xf32>
        %get3A_227 = vector.shape_cast %get3A_226 : vector<1x2048x1024xf32> to vector<2048x1024xf32>
        %slice3A_228 = vector.extract_strided_slice %get3A_227 {offsets = [640, 0], sizes = [128, 1024], strides = [1, 1]} : vector<2048x1024xf32> to vector<128x1024xf32>
        %dot_general3A_229 = arith.constant dense<0.000000e+00> : vector<1024x1024xf32>
        %dot_general3A_230 = tpu.matmul %slice3A_222, %slice3A_228, %dot_general3A_229 {dimension_numbers = #tpu.dot_dimension_numbers<[1], [0], [0], [1], [0, 0, 1, 1], [], []>, transpose_lhs_hint = false} : vector<1024x128xf32>, vector<128x1024xf32>, vector<1024x1024xf32> -> vector<1024x1024xf32>
        %mul3A_231 = vector.broadcast %get3A_46 : f32 to vector<1024x1024xf32>
        %mul3A_232 = arith.mulf %dot_general3A_230, %mul3A_231 : vector<1024x1024xf32>
        %add3A_233 = arith.addf %mul3A_221, %mul3A_232 : vector<1024x1024xf32>
        %add3A_234 = arith.addf %add3A_210, %add3A_233 : vector<1024x1024xf32>
        %slice3A_235 = vector.extract_strided_slice %max3A_163 {offsets = [0, 768], sizes = [1024, 128], strides = [1, 1]} : vector<1024x1024xf32> to vector<1024x128xf32>
        %get3A_236 = arith.constant 0 : index
        %get3A_237 = arith.constant 0 : index
        %get3A_238 = arith.constant 0 : index
        %get3A_239 = vector.load %arg9[%get3A_236, %get3A_237, %get3A_238] : memref<1x2048x1024xf32, #tpu.memory_space<vmem>>, vector<1x2048x1024xf32>
        %get3A_240 = vector.shape_cast %get3A_239 : vector<1x2048x1024xf32> to vector<2048x1024xf32>
        %slice3A_241 = vector.extract_strided_slice %get3A_240 {offsets = [768, 0], sizes = [128, 1024], strides = [1, 1]} : vector<2048x1024xf32> to vector<128x1024xf32>
        %dot_general3A_242 = arith.constant dense<0.000000e+00> : vector<1024x1024xf32>
        %dot_general3A_243 = tpu.matmul %slice3A_235, %slice3A_241, %dot_general3A_242 {dimension_numbers = #tpu.dot_dimension_numbers<[1], [0], [0], [1], [0, 0, 1, 1], [], []>, transpose_lhs_hint = false} : vector<1024x128xf32>, vector<128x1024xf32>, vector<1024x1024xf32> -> vector<1024x1024xf32>
        %mul3A_244 = vector.broadcast %get3A_46 : f32 to vector<1024x1024xf32>
        %mul3A_245 = arith.mulf %dot_general3A_243, %mul3A_244 : vector<1024x1024xf32>
        %slice3A_246 = vector.extract_strided_slice %max3A_163 {offsets = [0, 896], sizes = [1024, 128], strides = [1, 1]} : vector<1024x1024xf32> to vector<1024x128xf32>
        %get3A_247 = arith.constant 0 : index
        %get3A_248 = arith.constant 0 : index
        %get3A_249 = arith.constant 0 : index
        %get3A_250 = vector.load %arg9[%get3A_247, %get3A_248, %get3A_249] : memref<1x2048x1024xf32, #tpu.memory_space<vmem>>, vector<1x2048x1024xf32>
        %get3A_251 = vector.shape_cast %get3A_250 : vector<1x2048x1024xf32> to vector<2048x1024xf32>
        %slice3A_252 = vector.extract_strided_slice %get3A_251 {offsets = [896, 0], sizes = [128, 1024], strides = [1, 1]} : vector<2048x1024xf32> to vector<128x1024xf32>
        %dot_general3A_253 = arith.constant dense<0.000000e+00> : vector<1024x1024xf32>
        %dot_general3A_254 = tpu.matmul %slice3A_246, %slice3A_252, %dot_general3A_253 {dimension_numbers = #tpu.dot_dimension_numbers<[1], [0], [0], [1], [0, 0, 1, 1], [], []>, transpose_lhs_hint = false} : vector<1024x128xf32>, vector<128x1024xf32>, vector<1024x1024xf32> -> vector<1024x1024xf32>
        %mul3A_255 = vector.broadcast %get3A_46 : f32 to vector<1024x1024xf32>
        %mul3A_256 = arith.mulf %dot_general3A_254, %mul3A_255 : vector<1024x1024xf32>
        %add3A_257 = arith.addf %mul3A_245, %mul3A_256 : vector<1024x1024xf32>
        %add3A_258 = arith.addf %add3A_234, %add3A_257 : vector<1024x1024xf32>
        %get3A_259 = arith.constant 0 : index
        %get3A_260 = arith.constant 0 : index
        %get3A_261 = vector.load %arg17[%get3A_259, %get3A_260] : memref<1024x1024xf32, #tpu.memory_space<vmem>>, vector<1024x128xf32>
        %get3A_262 = arith.constant 0 : index
        %get3A_263 = arith.constant 0 : index
        %get3A_264 = arith.constant 0 : index
        %get3A_265 = vector.load %arg7[%get3A_262, %get3A_263, %get3A_264] : memref<1x1024x2048xf32, #tpu.memory_space<vmem>>, vector<1x1024x2048xf32>
        %get3A_266 = vector.shape_cast %get3A_265 : vector<1x1024x2048xf32> to vector<1024x2048xf32>
        %slice3A_267 = vector.extract_strided_slice %get3A_266 {offsets = [0, 1024], sizes = [128, 1024], strides = [1, 1]} : vector<1024x2048xf32> to vector<128x1024xf32>
        %dot_general3A_268 = arith.constant dense<0.000000e+00> : vector<1024x1024xf32>
        %dot_general3A_269 = tpu.matmul %get3A_261, %slice3A_267, %dot_general3A_268 {dimension_numbers = #tpu.dot_dimension_numbers<[1], [0], [0], [1], [0, 0, 1, 1], [], []>, transpose_lhs_hint = false} : vector<1024x128xf32>, vector<128x1024xf32>, vector<1024x1024xf32> -> vector<1024x1024xf32>
        %mul3A_270 = vector.broadcast %get3A_46 : f32 to vector<1024x1024xf32>
        %mul3A_271 = arith.mulf %dot_general3A_269, %mul3A_270 : vector<1024x1024xf32>
        %get3A_272 = arith.constant 0 : index
        %get3A_273 = arith.constant 128 : index
        %get3A_274 = vector.load %arg17[%get3A_272, %get3A_273] : memref<1024x1024xf32, #tpu.memory_space<vmem>>, vector<1024x128xf32>
        %get3A_275 = arith.constant 0 : index
        %get3A_276 = arith.constant 0 : index
        %get3A_277 = arith.constant 0 : index
        %get3A_278 = vector.load %arg7[%get3A_275, %get3A_276, %get3A_277] : memref<1x1024x2048xf32, #tpu.memory_space<vmem>>, vector<1x1024x2048xf32>
        %get3A_279 = vector.shape_cast %get3A_278 : vector<1x1024x2048xf32> to vector<1024x2048xf32>
        %slice3A_280 = vector.extract_strided_slice %get3A_279 {offsets = [128, 1024], sizes = [128, 1024], strides = [1, 1]} : vector<1024x2048xf32> to vector<128x1024xf32>
        %dot_general3A_281 = arith.constant dense<0.000000e+00> : vector<1024x1024xf32>
        %dot_general3A_282 = tpu.matmul %get3A_274, %slice3A_280, %dot_general3A_281 {dimension_numbers = #tpu.dot_dimension_numbers<[1], [0], [0], [1], [0, 0, 1, 1], [], []>, transpose_lhs_hint = false} : vector<1024x128xf32>, vector<128x1024xf32>, vector<1024x1024xf32> -> vector<1024x1024xf32>
        %mul3A_283 = vector.broadcast %get3A_46 : f32 to vector<1024x1024xf32>
        %mul3A_284 = arith.mulf %dot_general3A_282, %mul3A_283 : vector<1024x1024xf32>
        %add3A_285 = arith.addf %mul3A_271, %mul3A_284 : vector<1024x1024xf32>
        %get3A_286 = arith.constant 0 : index
        %get3A_287 = arith.constant 256 : index
        %get3A_288 = vector.load %arg17[%get3A_286, %get3A_287] : memref<1024x1024xf32, #tpu.memory_space<vmem>>, vector<1024x128xf32>
        %get3A_289 = arith.constant 0 : index
        %get3A_290 = arith.constant 0 : index
        %get3A_291 = arith.constant 0 : index
        %get3A_292 = vector.load %arg7[%get3A_289, %get3A_290, %get3A_291] : memref<1x1024x2048xf32, #tpu.memory_space<vmem>>, vector<1x1024x2048xf32>
        %get3A_293 = vector.shape_cast %get3A_292 : vector<1x1024x2048xf32> to vector<1024x2048xf32>
        %slice3A_294 = vector.extract_strided_slice %get3A_293 {offsets = [256, 1024], sizes = [128, 1024], strides = [1, 1]} : vector<1024x2048xf32> to vector<128x1024xf32>
        %dot_general3A_295 = arith.constant dense<0.000000e+00> : vector<1024x1024xf32>
        %dot_general3A_296 = tpu.matmul %get3A_288, %slice3A_294, %dot_general3A_295 {dimension_numbers = #tpu.dot_dimension_numbers<[1], [0], [0], [1], [0, 0, 1, 1], [], []>, transpose_lhs_hint = false} : vector<1024x128xf32>, vector<128x1024xf32>, vector<1024x1024xf32> -> vector<1024x1024xf32>
        %mul3A_297 = vector.broadcast %get3A_46 : f32 to vector<1024x1024xf32>
        %mul3A_298 = arith.mulf %dot_general3A_296, %mul3A_297 : vector<1024x1024xf32>
        %add3A_299 = arith.addf %add3A_285, %mul3A_298 : vector<1024x1024xf32>
        %get3A_300 = arith.constant 0 : index
        %get3A_301 = arith.constant 384 : index
        %get3A_302 = vector.load %arg17[%get3A_300, %get3A_301] : memref<1024x1024xf32, #tpu.memory_space<vmem>>, vector<1024x128xf32>
        %get3A_303 = arith.constant 0 : index
        %get3A_304 = arith.constant 0 : index
        %get3A_305 = arith.constant 0 : index
        %get3A_306 = vector.load %arg7[%get3A_303, %get3A_304, %get3A_305] : memref<1x1024x2048xf32, #tpu.memory_space<vmem>>, vector<1x1024x2048xf32>
        %get3A_307 = vector.shape_cast %get3A_306 : vector<1x1024x2048xf32> to vector<1024x2048xf32>
        %slice3A_308 = vector.extract_strided_slice %get3A_307 {offsets = [384, 1024], sizes = [128, 1024], strides = [1, 1]} : vector<1024x2048xf32> to vector<128x1024xf32>
        %dot_general3A_309 = arith.constant dense<0.000000e+00> : vector<1024x1024xf32>
        %dot_general3A_310 = tpu.matmul %get3A_302, %slice3A_308, %dot_general3A_309 {dimension_numbers = #tpu.dot_dimension_numbers<[1], [0], [0], [1], [0, 0, 1, 1], [], []>, transpose_lhs_hint = false} : vector<1024x128xf32>, vector<128x1024xf32>, vector<1024x1024xf32> -> vector<1024x1024xf32>
        %mul3A_311 = vector.broadcast %get3A_46 : f32 to vector<1024x1024xf32>
        %mul3A_312 = arith.mulf %dot_general3A_310, %mul3A_311 : vector<1024x1024xf32>
        %add3A_313 = arith.addf %add3A_299, %mul3A_312 : vector<1024x1024xf32>
        %get3A_314 = arith.constant 0 : index
        %get3A_315 = arith.constant 512 : index
        %get3A_316 = vector.load %arg17[%get3A_314, %get3A_315] : memref<1024x1024xf32, #tpu.memory_space<vmem>>, vector<1024x128xf32>
        %get3A_317 = arith.constant 0 : index
        %get3A_318 = arith.constant 0 : index
        %get3A_319 = arith.constant 0 : index
        %get3A_320 = vector.load %arg7[%get3A_317, %get3A_318, %get3A_319] : memref<1x1024x2048xf32, #tpu.memory_space<vmem>>, vector<1x1024x2048xf32>
        %get3A_321 = vector.shape_cast %get3A_320 : vector<1x1024x2048xf32> to vector<1024x2048xf32>
        %slice3A_322 = vector.extract_strided_slice %get3A_321 {offsets = [512, 1024], sizes = [128, 1024], strides = [1, 1]} : vector<1024x2048xf32> to vector<128x1024xf32>
        %dot_general3A_323 = arith.constant dense<0.000000e+00> : vector<1024x1024xf32>
        %dot_general3A_324 = tpu.matmul %get3A_316, %slice3A_322, %dot_general3A_323 {dimension_numbers = #tpu.dot_dimension_numbers<[1], [0], [0], [1], [0, 0, 1, 1], [], []>, transpose_lhs_hint = false} : vector<1024x128xf32>, vector<128x1024xf32>, vector<1024x1024xf32> -> vector<1024x1024xf32>
        %mul3A_325 = vector.broadcast %get3A_46 : f32 to vector<1024x1024xf32>
        %mul3A_326 = arith.mulf %dot_general3A_324, %mul3A_325 : vector<1024x1024xf32>
        %add3A_327 = arith.addf %add3A_313, %mul3A_326 : vector<1024x1024xf32>
        %get3A_328 = arith.constant 0 : index
        %get3A_329 = arith.constant 640 : index
        %get3A_330 = vector.load %arg17[%get3A_328, %get3A_329] : memref<1024x1024xf32, #tpu.memory_space<vmem>>, vector<1024x128xf32>
        %get3A_331 = arith.constant 0 : index
        %get3A_332 = arith.constant 0 : index
        %get3A_333 = arith.constant 0 : index
        %get3A_334 = vector.load %arg7[%get3A_331, %get3A_332, %get3A_333] : memref<1x1024x2048xf32, #tpu.memory_space<vmem>>, vector<1x1024x2048xf32>
        %get3A_335 = vector.shape_cast %get3A_334 : vector<1x1024x2048xf32> to vector<1024x2048xf32>
        %slice3A_336 = vector.extract_strided_slice %get3A_335 {offsets = [640, 1024], sizes = [128, 1024], strides = [1, 1]} : vector<1024x2048xf32> to vector<128x1024xf32>
        %dot_general3A_337 = arith.constant dense<0.000000e+00> : vector<1024x1024xf32>
        %dot_general3A_338 = tpu.matmul %get3A_330, %slice3A_336, %dot_general3A_337 {dimension_numbers = #tpu.dot_dimension_numbers<[1], [0], [0], [1], [0, 0, 1, 1], [], []>, transpose_lhs_hint = false} : vector<1024x128xf32>, vector<128x1024xf32>, vector<1024x1024xf32> -> vector<1024x1024xf32>
        %mul3A_339 = vector.broadcast %get3A_46 : f32 to vector<1024x1024xf32>
        %mul3A_340 = arith.mulf %dot_general3A_338, %mul3A_339 : vector<1024x1024xf32>
        %add3A_341 = arith.addf %add3A_327, %mul3A_340 : vector<1024x1024xf32>
        %get3A_342 = arith.constant 0 : index
        %get3A_343 = arith.constant 768 : index
        %get3A_344 = vector.load %arg17[%get3A_342, %get3A_343] : memref<1024x1024xf32, #tpu.memory_space<vmem>>, vector<1024x128xf32>
        %get3A_345 = arith.constant 0 : index
        %get3A_346 = arith.constant 0 : index
        %get3A_347 = arith.constant 0 : index
        %get3A_348 = vector.load %arg7[%get3A_345, %get3A_346, %get3A_347] : memref<1x1024x2048xf32, #tpu.memory_space<vmem>>, vector<1x1024x2048xf32>
        %get3A_349 = vector.shape_cast %get3A_348 : vector<1x1024x2048xf32> to vector<1024x2048xf32>
        %slice3A_350 = vector.extract_strided_slice %get3A_349 {offsets = [768, 1024], sizes = [128, 1024], strides = [1, 1]} : vector<1024x2048xf32> to vector<128x1024xf32>
        %dot_general3A_351 = arith.constant dense<0.000000e+00> : vector<1024x1024xf32>
        %dot_general3A_352 = tpu.matmul %get3A_344, %slice3A_350, %dot_general3A_351 {dimension_numbers = #tpu.dot_dimension_numbers<[1], [0], [0], [1], [0, 0, 1, 1], [], []>, transpose_lhs_hint = false} : vector<1024x128xf32>, vector<128x1024xf32>, vector<1024x1024xf32> -> vector<1024x1024xf32>
        %mul3A_353 = vector.broadcast %get3A_46 : f32 to vector<1024x1024xf32>
        %mul3A_354 = arith.mulf %dot_general3A_352, %mul3A_353 : vector<1024x1024xf32>
        %add3A_355 = arith.addf %add3A_341, %mul3A_354 : vector<1024x1024xf32>
        %get3A_356 = arith.constant 0 : index
        %get3A_357 = arith.constant 896 : index
        %get3A_358 = vector.load %arg17[%get3A_356, %get3A_357] : memref<1024x1024xf32, #tpu.memory_space<vmem>>, vector<1024x128xf32>
        %get3A_359 = arith.constant 0 : index
        %get3A_360 = arith.constant 0 : index
        %get3A_361 = arith.constant 0 : index
        %get3A_362 = vector.load %arg7[%get3A_359, %get3A_360, %get3A_361] : memref<1x1024x2048xf32, #tpu.memory_space<vmem>>, vector<1x1024x2048xf32>
        %get3A_363 = vector.shape_cast %get3A_362 : vector<1x1024x2048xf32> to vector<1024x2048xf32>
        %slice3A_364 = vector.extract_strided_slice %get3A_363 {offsets = [896, 1024], sizes = [128, 1024], strides = [1, 1]} : vector<1024x2048xf32> to vector<128x1024xf32>
        %dot_general3A_365 = arith.constant dense<0.000000e+00> : vector<1024x1024xf32>
        %dot_general3A_366 = tpu.matmul %get3A_358, %slice3A_364, %dot_general3A_365 {dimension_numbers = #tpu.dot_dimension_numbers<[1], [0], [0], [1], [0, 0, 1, 1], [], []>, transpose_lhs_hint = false} : vector<1024x128xf32>, vector<128x1024xf32>, vector<1024x1024xf32> -> vector<1024x1024xf32>
        %mul3A_367 = vector.broadcast %get3A_46 : f32 to vector<1024x1024xf32>
        %mul3A_368 = arith.mulf %dot_general3A_366, %mul3A_367 : vector<1024x1024xf32>
        %add3A_369 = arith.addf %add3A_355, %mul3A_368 : vector<1024x1024xf32>
        %get3A_370 = arith.constant 0 : index
        %get3A_371 = arith.constant 0 : index
        %get3A_372 = arith.constant 0 : index
        %get3A_373 = vector.load %arg8[%get3A_370, %get3A_371, %get3A_372] : memref<1x1x2048xf32, #tpu.memory_space<vmem>>, vector<1x1x2048xf32>
        %get3A_374 = vector.shape_cast %get3A_373 : vector<1x1x2048xf32> to vector<1x2048xf32>
        %slice3A_375 = vector.extract_strided_slice %get3A_374 {offsets = [0, 1024], sizes = [1, 1024], strides = [1, 1]} : vector<1x2048xf32> to vector<1x1024xf32>
        %add3A_376 = vector.broadcast %slice3A_375 : vector<1x1024xf32> to vector<1024x1024xf32>
        %add3A_377 = arith.addf %add3A_369, %add3A_376 : vector<1024x1024xf32>
        %max3A_378 = arith.constant 0.000000e+00 : f32
        %max3A_379 = vector.broadcast %max3A_378 : f32 to vector<1024x1024xf32>
        %max3A_380 = arith.maximumf %add3A_377, %max3A_379 : vector<1024x1024xf32>
        %slice3A_381 = vector.extract_strided_slice %max3A_380 {offsets = [0, 0], sizes = [1024, 128], strides = [1, 1]} : vector<1024x1024xf32> to vector<1024x128xf32>
        %get3A_382 = arith.constant 0 : index
        %get3A_383 = arith.constant 0 : index
        %get3A_384 = arith.constant 0 : index
        %get3A_385 = vector.load %arg9[%get3A_382, %get3A_383, %get3A_384] : memref<1x2048x1024xf32, #tpu.memory_space<vmem>>, vector<1x2048x1024xf32>
        %get3A_386 = vector.shape_cast %get3A_385 : vector<1x2048x1024xf32> to vector<2048x1024xf32>
        %slice3A_387 = vector.extract_strided_slice %get3A_386 {offsets = [1024, 0], sizes = [128, 1024], strides = [1, 1]} : vector<2048x1024xf32> to vector<128x1024xf32>
        %dot_general3A_388 = arith.constant dense<0.000000e+00> : vector<1024x1024xf32>
        %dot_general3A_389 = tpu.matmul %slice3A_381, %slice3A_387, %dot_general3A_388 {dimension_numbers = #tpu.dot_dimension_numbers<[1], [0], [0], [1], [0, 0, 1, 1], [], []>, transpose_lhs_hint = false} : vector<1024x128xf32>, vector<128x1024xf32>, vector<1024x1024xf32> -> vector<1024x1024xf32>
        %mul3A_390 = vector.broadcast %get3A_46 : f32 to vector<1024x1024xf32>
        %mul3A_391 = arith.mulf %dot_general3A_389, %mul3A_390 : vector<1024x1024xf32>
        %slice3A_392 = vector.extract_strided_slice %max3A_380 {offsets = [0, 128], sizes = [1024, 128], strides = [1, 1]} : vector<1024x1024xf32> to vector<1024x128xf32>
        %get3A_393 = arith.constant 0 : index
        %get3A_394 = arith.constant 0 : index
        %get3A_395 = arith.constant 0 : index
        %get3A_396 = vector.load %arg9[%get3A_393, %get3A_394, %get3A_395] : memref<1x2048x1024xf32, #tpu.memory_space<vmem>>, vector<1x2048x1024xf32>
        %get3A_397 = vector.shape_cast %get3A_396 : vector<1x2048x1024xf32> to vector<2048x1024xf32>
        %slice3A_398 = vector.extract_strided_slice %get3A_397 {offsets = [1152, 0], sizes = [128, 1024], strides = [1, 1]} : vector<2048x1024xf32> to vector<128x1024xf32>
        %dot_general3A_399 = arith.constant dense<0.000000e+00> : vector<1024x1024xf32>
        %dot_general3A_400 = tpu.matmul %slice3A_392, %slice3A_398, %dot_general3A_399 {dimension_numbers = #tpu.dot_dimension_numbers<[1], [0], [0], [1], [0, 0, 1, 1], [], []>, transpose_lhs_hint = false} : vector<1024x128xf32>, vector<128x1024xf32>, vector<1024x1024xf32> -> vector<1024x1024xf32>
        %mul3A_401 = vector.broadcast %get3A_46 : f32 to vector<1024x1024xf32>
        %mul3A_402 = arith.mulf %dot_general3A_400, %mul3A_401 : vector<1024x1024xf32>
        %add3A_403 = arith.addf %mul3A_391, %mul3A_402 : vector<1024x1024xf32>
        %add3A_404 = arith.addf %add3A_258, %add3A_403 : vector<1024x1024xf32>
        %slice3A_405 = vector.extract_strided_slice %max3A_380 {offsets = [0, 256], sizes = [1024, 128], strides = [1, 1]} : vector<1024x1024xf32> to vector<1024x128xf32>
        %get3A_406 = arith.constant 0 : index
        %get3A_407 = arith.constant 0 : index
        %get3A_408 = arith.constant 0 : index
        %get3A_409 = vector.load %arg9[%get3A_406, %get3A_407, %get3A_408] : memref<1x2048x1024xf32, #tpu.memory_space<vmem>>, vector<1x2048x1024xf32>
        %get3A_410 = vector.shape_cast %get3A_409 : vector<1x2048x1024xf32> to vector<2048x1024xf32>
        %slice3A_411 = vector.extract_strided_slice %get3A_410 {offsets = [1280, 0], sizes = [128, 1024], strides = [1, 1]} : vector<2048x1024xf32> to vector<128x1024xf32>
        %dot_general3A_412 = arith.constant dense<0.000000e+00> : vector<1024x1024xf32>
        %dot_general3A_413 = tpu.matmul %slice3A_405, %slice3A_411, %dot_general3A_412 {dimension_numbers = #tpu.dot_dimension_numbers<[1], [0], [0], [1], [0, 0, 1, 1], [], []>, transpose_lhs_hint = false} : vector<1024x128xf32>, vector<128x1024xf32>, vector<1024x1024xf32> -> vector<1024x1024xf32>
        %mul3A_414 = vector.broadcast %get3A_46 : f32 to vector<1024x1024xf32>
        %mul3A_415 = arith.mulf %dot_general3A_413, %mul3A_414 : vector<1024x1024xf32>
        %slice3A_416 = vector.extract_strided_slice %max3A_380 {offsets = [0, 384], sizes = [1024, 128], strides = [1, 1]} : vector<1024x1024xf32> to vector<1024x128xf32>
        %get3A_417 = arith.constant 0 : index
        %get3A_418 = arith.constant 0 : index
        %get3A_419 = arith.constant 0 : index
        %get3A_420 = vector.load %arg9[%get3A_417, %get3A_418, %get3A_419] : memref<1x2048x1024xf32, #tpu.memory_space<vmem>>, vector<1x2048x1024xf32>
        %get3A_421 = vector.shape_cast %get3A_420 : vector<1x2048x1024xf32> to vector<2048x1024xf32>
        %slice3A_422 = vector.extract_strided_slice %get3A_421 {offsets = [1408, 0], sizes = [128, 1024], strides = [1, 1]} : vector<2048x1024xf32> to vector<128x1024xf32>
        %dot_general3A_423 = arith.constant dense<0.000000e+00> : vector<1024x1024xf32>
        %dot_general3A_424 = tpu.matmul %slice3A_416, %slice3A_422, %dot_general3A_423 {dimension_numbers = #tpu.dot_dimension_numbers<[1], [0], [0], [1], [0, 0, 1, 1], [], []>, transpose_lhs_hint = false} : vector<1024x128xf32>, vector<128x1024xf32>, vector<1024x1024xf32> -> vector<1024x1024xf32>
        %mul3A_425 = vector.broadcast %get3A_46 : f32 to vector<1024x1024xf32>
        %mul3A_426 = arith.mulf %dot_general3A_424, %mul3A_425 : vector<1024x1024xf32>
        %add3A_427 = arith.addf %mul3A_415, %mul3A_426 : vector<1024x1024xf32>
        %add3A_428 = arith.addf %add3A_404, %add3A_427 : vector<1024x1024xf32>
        %slice3A_429 = vector.extract_strided_slice %max3A_380 {offsets = [0, 512], sizes = [1024, 128], strides = [1, 1]} : vector<1024x1024xf32> to vector<1024x128xf32>
        %get3A_430 = arith.constant 0 : index
        %get3A_431 = arith.constant 0 : index
        %get3A_432 = arith.constant 0 : index
        %get3A_433 = vector.load %arg9[%get3A_430, %get3A_431, %get3A_432] : memref<1x2048x1024xf32, #tpu.memory_space<vmem>>, vector<1x2048x1024xf32>
        %get3A_434 = vector.shape_cast %get3A_433 : vector<1x2048x1024xf32> to vector<2048x1024xf32>
        %slice3A_435 = vector.extract_strided_slice %get3A_434 {offsets = [1536, 0], sizes = [128, 1024], strides = [1, 1]} : vector<2048x1024xf32> to vector<128x1024xf32>
        %dot_general3A_436 = arith.constant dense<0.000000e+00> : vector<1024x1024xf32>
        %dot_general3A_437 = tpu.matmul %slice3A_429, %slice3A_435, %dot_general3A_436 {dimension_numbers = #tpu.dot_dimension_numbers<[1], [0], [0], [1], [0, 0, 1, 1], [], []>, transpose_lhs_hint = false} : vector<1024x128xf32>, vector<128x1024xf32>, vector<1024x1024xf32> -> vector<1024x1024xf32>
        %mul3A_438 = vector.broadcast %get3A_46 : f32 to vector<1024x1024xf32>
        %mul3A_439 = arith.mulf %dot_general3A_437, %mul3A_438 : vector<1024x1024xf32>
        %slice3A_440 = vector.extract_strided_slice %max3A_380 {offsets = [0, 640], sizes = [1024, 128], strides = [1, 1]} : vector<1024x1024xf32> to vector<1024x128xf32>
        %get3A_441 = arith.constant 0 : index
        %get3A_442 = arith.constant 0 : index
        %get3A_443 = arith.constant 0 : index
        %get3A_444 = vector.load %arg9[%get3A_441, %get3A_442, %get3A_443] : memref<1x2048x1024xf32, #tpu.memory_space<vmem>>, vector<1x2048x1024xf32>
        %get3A_445 = vector.shape_cast %get3A_444 : vector<1x2048x1024xf32> to vector<2048x1024xf32>
        %slice3A_446 = vector.extract_strided_slice %get3A_445 {offsets = [1664, 0], sizes = [128, 1024], strides = [1, 1]} : vector<2048x1024xf32> to vector<128x1024xf32>
        %dot_general3A_447 = arith.constant dense<0.000000e+00> : vector<1024x1024xf32>
        %dot_general3A_448 = tpu.matmul %slice3A_440, %slice3A_446, %dot_general3A_447 {dimension_numbers = #tpu.dot_dimension_numbers<[1], [0], [0], [1], [0, 0, 1, 1], [], []>, transpose_lhs_hint = false} : vector<1024x128xf32>, vector<128x1024xf32>, vector<1024x1024xf32> -> vector<1024x1024xf32>
        %mul3A_449 = vector.broadcast %get3A_46 : f32 to vector<1024x1024xf32>
        %mul3A_450 = arith.mulf %dot_general3A_448, %mul3A_449 : vector<1024x1024xf32>
        %add3A_451 = arith.addf %mul3A_439, %mul3A_450 : vector<1024x1024xf32>
        %add3A_452 = arith.addf %add3A_428, %add3A_451 : vector<1024x1024xf32>
        %slice3A_453 = vector.extract_strided_slice %max3A_380 {offsets = [0, 768], sizes = [1024, 128], strides = [1, 1]} : vector<1024x1024xf32> to vector<1024x128xf32>
        %get3A_454 = arith.constant 0 : index
        %get3A_455 = arith.constant 0 : index
        %get3A_456 = arith.constant 0 : index
        %get3A_457 = vector.load %arg9[%get3A_454, %get3A_455, %get3A_456] : memref<1x2048x1024xf32, #tpu.memory_space<vmem>>, vector<1x2048x1024xf32>
        %get3A_458 = vector.shape_cast %get3A_457 : vector<1x2048x1024xf32> to vector<2048x1024xf32>
        %slice3A_459 = vector.extract_strided_slice %get3A_458 {offsets = [1792, 0], sizes = [128, 1024], strides = [1, 1]} : vector<2048x1024xf32> to vector<128x1024xf32>
        %dot_general3A_460 = arith.constant dense<0.000000e+00> : vector<1024x1024xf32>
        %dot_general3A_461 = tpu.matmul %slice3A_453, %slice3A_459, %dot_general3A_460 {dimension_numbers = #tpu.dot_dimension_numbers<[1], [0], [0], [1], [0, 0, 1, 1], [], []>, transpose_lhs_hint = false} : vector<1024x128xf32>, vector<128x1024xf32>, vector<1024x1024xf32> -> vector<1024x1024xf32>
        %mul3A_462 = vector.broadcast %get3A_46 : f32 to vector<1024x1024xf32>
        %mul3A_463 = arith.mulf %dot_general3A_461, %mul3A_462 : vector<1024x1024xf32>
        %slice3A_464 = vector.extract_strided_slice %max3A_380 {offsets = [0, 896], sizes = [1024, 128], strides = [1, 1]} : vector<1024x1024xf32> to vector<1024x128xf32>
        %get3A_465 = arith.constant 0 : index
        %get3A_466 = arith.constant 0 : index
        %get3A_467 = arith.constant 0 : index
        %get3A_468 = vector.load %arg9[%get3A_465, %get3A_466, %get3A_467] : memref<1x2048x1024xf32, #tpu.memory_space<vmem>>, vector<1x2048x1024xf32>
        %get3A_469 = vector.shape_cast %get3A_468 : vector<1x2048x1024xf32> to vector<2048x1024xf32>
        %slice3A_470 = vector.extract_strided_slice %get3A_469 {offsets = [1920, 0], sizes = [128, 1024], strides = [1, 1]} : vector<2048x1024xf32> to vector<128x1024xf32>
        %dot_general3A_471 = arith.constant dense<0.000000e+00> : vector<1024x1024xf32>
        %dot_general3A_472 = tpu.matmul %slice3A_464, %slice3A_470, %dot_general3A_471 {dimension_numbers = #tpu.dot_dimension_numbers<[1], [0], [0], [1], [0, 0, 1, 1], [], []>, transpose_lhs_hint = false} : vector<1024x128xf32>, vector<128x1024xf32>, vector<1024x1024xf32> -> vector<1024x1024xf32>
        %mul3A_473 = vector.broadcast %get3A_46 : f32 to vector<1024x1024xf32>
        %mul3A_474 = arith.mulf %dot_general3A_472, %mul3A_473 : vector<1024x1024xf32>
        %add3A_475 = arith.addf %mul3A_463, %mul3A_474 : vector<1024x1024xf32>
        %add3A_476 = arith.addf %add3A_452, %add3A_475 : vector<1024x1024xf32>
        %get3A_477 = arith.constant 0 : index
        %get3A_478 = arith.constant 0 : index
        %get3A_479 = arith.constant 0 : index
        %get3A_480 = vector.load %arg10[%get3A_477, %get3A_478, %get3A_479] : memref<1x1x1024xf32, #tpu.memory_space<vmem>>, vector<1x1x1024xf32>
        %get3A_481 = vector.shape_cast %get3A_480 : vector<1x1x1024xf32> to vector<1x1024xf32>
        %add3A_482 = vector.broadcast %get3A_481 : vector<1x1024xf32> to vector<1024x1024xf32>
        %add3A_483 = arith.addf %add3A_476, %add3A_482 : vector<1024x1024xf32>
        %get3A_484 = arith.constant 0 : index
        %get3A_485 = arith.constant 0 : index
        %get3A_486 = arith.constant 0 : index
        %get3A_487 = vector.load %arg11[%get3A_484, %get3A_485, %get3A_486] : memref<1x1x1024xf32, #tpu.memory_space<vmem>>, vector<1x1x1024xf32>
        %get3A_488 = vector.shape_cast %get3A_487 : vector<1x1x1024xf32> to vector<1x1024xf32>
        %add3A_489 = vector.broadcast %get3A_488 : vector<1x1024xf32> to vector<1024x1024xf32>
        %add3A_490 = arith.addf %add3A_483, %add3A_489 : vector<1024x1024xf32>
        %get3A_491 = arith.constant 0 : index
        %get3A_492 = arith.constant 0 : index
        %get3A_493 = vector.load %arg18[%get3A_491, %get3A_492] : memref<1024x1024xf32, #tpu.memory_space<vmem>>, vector<1024x1024xf32>
        %broadcast_in_dim3A = vector.shape_cast %and3A_24 : vector<1024x1xi1> to vector<1024x1xi1>
        %broadcast_in_dim3A_494 = vector.broadcast %broadcast_in_dim3A : vector<1024x1xi1> to vector<1024x1024xi1>
        %select_n3A = arith.select %broadcast_in_dim3A_494, %add3A_490, %get3A_493 : vector<1024x1024xi1>, vector<1024x1024xf32>
        %swap3A = arith.constant 0 : index
        %swap3A_495 = arith.constant 0 : index
        %swap3A_496 = vector.load %arg18[%swap3A, %swap3A_495] : memref<1024x1024xf32, #tpu.memory_space<vmem>>, vector<1024x1024xf32>
        tpu.vector_store %arg18[%swap3A, %swap3A_495], %select_n3A {strides = array<i32>} : memref<1024x1024xf32, #tpu.memory_space<vmem>>, vector<1024x1024xf32>,
      } else {
      }
      %eq3A_39 = arith.constant 8 : i32
      %eq3A_40 = arith.cmpi eq, %arg1, %eq3A_39 : i32
      %convert_element_type3A_41 = arith.extui %eq3A_40 : i1 to i32
      %cond3A_42 = arith.constant 0 : i32
      %cond3A_43 = arith.cmpi ne, %convert_element_type3A_41, %cond3A_42 : i32
      scf.if %cond3A_43 {
        %get3A_44 = arith.constant 0 : index
        %get3A_45 = arith.constant 0 : index
        %get3A_46 = vector.load %arg21[%get3A_44, %get3A_45] : memref<1024x1xf32, #tpu.memory_space<vmem>>, vector<1024x1xf32>
        %gt3A_47 = arith.constant 0.000000e+00 : f32
        %gt3A_48 = vector.broadcast %gt3A_47 : f32 to vector<1024x1xf32>
        %gt3A_49 = arith.cmpf ogt, %get3A_46, %gt3A_48 : vector<1024x1xf32>
        %get3A_50 = arith.constant 0 : index
        %get3A_51 = arith.constant 0 : index
        %get3A_52 = vector.load %arg18[%get3A_50, %get3A_51] : memref<1024x1024xf32, #tpu.memory_space<vmem>>, vector<1024x1024xf32>
        %get3A_53 = arith.constant 0 : index
        %get3A_54 = arith.constant 0 : index
        %get3A_55 = vector.load %arg17[%get3A_53, %get3A_54] : memref<1024x1024xf32, #tpu.memory_space<vmem>>, vector<1024x1024xf32>
        %broadcast_in_dim3A = vector.shape_cast %gt3A_49 : vector<1024x1xi1> to vector<1024x1xi1>
        %broadcast_in_dim3A_56 = vector.broadcast %broadcast_in_dim3A : vector<1024x1xi1> to vector<1024x1024xi1>
        %select_n3A = arith.select %broadcast_in_dim3A_56, %get3A_52, %get3A_55 : vector<1024x1024xi1>, vector<1024x1024xf32>
        %swap3A = arith.constant 0 : index
        %swap3A_57 = arith.constant 0 : index
        %swap3A_58 = vector.load %arg17[%swap3A, %swap3A_57] : memref<1024x1024xf32, #tpu.memory_space<vmem>>, vector<1024x1024xf32>
        tpu.vector_store %arg17[%swap3A, %swap3A_57], %select_n3A {strides = array<i32>} : memref<1024x1024xf32, #tpu.memory_space<vmem>>, vector<1024x1024xf32>,
        %eq3A_59 = arith.constant 4 : i32
        %eq3A_60 = arith.cmpi eq, %arg0, %eq3A_59 : i32
        %convert_element_type3A_61 = arith.extui %eq3A_60 : i1 to i32
        %cond3A_62 = arith.constant 0 : i32
        %cond3A_63 = arith.cmpi ne, %convert_element_type3A_61, %cond3A_62 : i32
        scf.if %cond3A_63 {
          %get3A_64 = arith.constant 0 : index
          %get3A_65 = arith.constant 0 : index
          %get3A_66 = vector.load %arg12[%get3A_64, %get3A_65] : memref<1024x16xf32, #tpu.memory_space<vmem>>, vector<1024x16xf32>
          %dot_general3A = arith.constant dense<0.000000e+00> : vector<1024x16xf32>
          %dot_general3A_67 = tpu.matmul %select_n3A, %get3A_66, %dot_general3A {dimension_numbers = #tpu.dot_dimension_numbers<[1], [0], [0], [1], [0, 0, 1, 1], [], []>, transpose_lhs_hint = false} : vector<1024x1024xf32>, vector<1024x16xf32>, vector<1024x16xf32> -> vector<1024x16xf32>
          %get3A_68 = arith.constant 0 : index
          %get3A_69 = arith.constant 0 : index
          %get3A_70 = vector.load %arg13[%get3A_68, %get3A_69] : memref<1x16xf32, #tpu.memory_space<vmem>>, vector<1x16xf32>
          %add3A = vector.broadcast %get3A_70 : vector<1x16xf32> to vector<1024x16xf32>
          %add3A_71 = arith.addf %dot_general3A_67, %add3A : vector<1024x16xf32>
          %swap3A_72 = arith.constant 0 : index
          %swap3A_73 = arith.constant 0 : index
          %swap3A_74 = vector.load %arg15[%swap3A_72, %swap3A_73] : memref<1024x16xf32, #tpu.memory_space<vmem>>, vector<1024x16xf32>
          tpu.vector_store %arg15[%swap3A_72, %swap3A_73], %add3A_71 {strides = array<i32>} : memref<1024x16xf32, #tpu.memory_space<vmem>>, vector<1024x16xf32>,
          %get3A_75 = arith.constant 0 : index
          %get3A_76 = arith.constant 0 : index
          %get3A_77 = memref.load %arg22[%get3A_75, %get3A_76] : memref<1x1xf32, #tpu.memory_space<smem>>
          %broadcast_in_dim3A_78 = vector.broadcast %get3A_77 : f32 to vector<1x1xf32>
          %swap3A_79 = arith.constant 0 : index
          %swap3A_80 = arith.constant 0 : index
          %swap3A_81 = vector.load %arg16[%swap3A_79, %swap3A_80] : memref<1x1xf32, #tpu.memory_space<vmem>>, vector<1x1xf32>
          tpu.vector_store %arg16[%swap3A_79, %swap3A_80], %broadcast_in_dim3A_78 {strides = array<i32>} : memref<1x1xf32, #tpu.memory_space<vmem>>, vector<1x1xf32>,
        } else {
        }
      } else {
      }
    } else {
    }
    return
  }
  func.func @transform_0(%arg0: i32, %arg1: i32) -> (i32, i32) {
    %c0_i32 = arith.constant 0 : i32
    %c0_i32_0 = arith.constant 0 : i32
    %c0_i32_1 = arith.constant 0 : i32
    return %c0_i32, %c0_i32_0 : i32, i32
  }
  func.func @transform_1(%arg0: i32, %arg1: i32) -> (i32, i32) {
    %c0_i32 = arith.constant 0 : i32
    %c0_i32_0 = arith.constant 0 : i32
    %c0_i32_1 = arith.constant 0 : i32
    return %c0_i32, %c0_i32_0 : i32, i32
  }
  func.func @transform_2(%arg0: i32, %arg1: i32) -> (i32, i32) {
    %c0_i32 = arith.constant 0 : i32
    %c0_i32_0 = arith.constant 0 : i32
    %c0_i32_1 = arith.constant 0 : i32
    return %c0_i32, %c0_i32_0 : i32, i32
  }
  func.func @transform_3(%arg0: i32, %arg1: i32) -> (i32, i32) {
    %c0_i32 = arith.constant 0 : i32
    %c0_i32_0 = arith.constant 0 : i32
    %c0_i32_1 = arith.constant 0 : i32
    return %c0_i32, %c0_i32_0 : i32, i32
  }
  func.func @transform_4(%arg0: i32, %arg1: i32) -> (i32, i32) {
    %c0_i32 = arith.constant 0 : i32
    %c0_i32_0 = arith.constant 0 : i32
    %c0_i32_1 = arith.constant 0 : i32
    return %c0_i32, %c0_i32_0 : i32, i32
  }
  func.func @transform_5(%arg0: i32, %arg1: i32) -> (i32, i32, i32) {
    %sub3A = arith.constant 1 : i32
    %sub3A_0 = arith.subi %arg1, %sub3A : i32
    %max3A = arith.constant 0 : i32
    %max3A_1 = arith.maxsi %sub3A_0, %max3A : i32
    %c0_i32 = arith.constant 0 : i32
    %c0_i32_2 = arith.constant 0 : i32
    %c0_i32_3 = arith.constant 0 : i32
    return %max3A_1, %c0_i32, %c0_i32_2 : i32, i32, i32
  }
  func.func @transform_6(%arg0: i32, %arg1: i32) -> (i32, i32, i32) {
    %sub3A = arith.constant 1 : i32
    %sub3A_0 = arith.subi %arg1, %sub3A : i32
    %max3A = arith.constant 0 : i32
    %max3A_1 = arith.maxsi %sub3A_0, %max3A : i32
    %c0_i32 = arith.constant 0 : i32
    %c0_i32_2 = arith.constant 0 : i32
    %c0_i32_3 = arith.constant 0 : i32
    return %max3A_1, %c0_i32, %c0_i32_2 : i32, i32, i32
  }
  func.func @transform_7(%arg0: i32, %arg1: i32) -> (i32, i32, i32) {
    %sub3A = arith.constant 1 : i32
    %sub3A_0 = arith.subi %arg1, %sub3A : i32
    %max3A = arith.constant 0 : i32
    %max3A_1 = arith.maxsi %sub3A_0, %max3A : i32
    %c0_i32 = arith.constant 0 : i32
    %c0_i32_2 = arith.constant 0 : i32
    %c0_i32_3 = arith.constant 0 : i32
    return %max3A_1, %c0_i32, %c0_i32_2 : i32, i32, i32
  }
  func.func @transform_8(%arg0: i32, %arg1: i32) -> (i32, i32, i32) {
    %sub3A = arith.constant 1 : i32
    %sub3A_0 = arith.subi %arg1, %sub3A : i32
    %max3A = arith.constant 0 : i32
    %max3A_1 = arith.maxsi %sub3A_0, %max3A : i32
    %c0_i32 = arith.constant 0 : i32
    %c0_i32_2 = arith.constant 0 : i32
    %c0_i32_3 = arith.constant 0 : i32
    return %max3A_1, %c0_i32, %c0_i32_2 : i32, i32, i32
  }
  func.func @transform_9(%arg0: i32, %arg1: i32) -> (i32, i32, i32) {
    %sub3A = arith.constant 1 : i32
    %sub3A_0 = arith.subi %arg1, %sub3A : i32
    %max3A = arith.constant 0 : i32
    %max3A_1 = arith.maxsi %sub3A_0, %max3A : i32
    %c0_i32 = arith.constant 0 : i32
    %c0_i32_2 = arith.constant 0 : i32
    %c0_i32_3 = arith.constant 0 : i32
    return %max3A_1, %c0_i32, %c0_i32_2 : i32, i32, i32
  }
  func.func @transform_10(%arg0: i32, %arg1: i32) -> (i32, i32) {
    %c0_i32 = arith.constant 0 : i32
    %c0_i32_0 = arith.constant 0 : i32
    %c0_i32_1 = arith.constant 0 : i32
    return %c0_i32, %c0_i32_0 : i32, i32
  }
  func.func @transform_11(%arg0: i32, %arg1: i32) -> (i32, i32) {
    %c0_i32 = arith.constant 0 : i32
    %c0_i32_0 = arith.constant 0 : i32
    %c0_i32_1 = arith.constant 0 : i32
    return %c0_i32, %c0_i32_0 : i32, i32
  }
  func.func @transform_12(%arg0: i32, %arg1: i32) -> (i32, i32) {
    %c0_i32 = arith.constant 0 : i32
    %c0_i32_0 = arith.constant 0 : i32
    %c0_i32_1 = arith.constant 0 : i32
    return %c0_i32, %c0_i32_0 : i32, i32
  }
  func.func @transform_13(%arg0: i32, %arg1: i32) -> (i32, i32) {
    %c0_i32 = arith.constant 0 : i32
    %c0_i32_0 = arith.constant 0 : i32
    %c0_i32_1 = arith.constant 0 : i32
    return %c0_i32, %c0_i32_0 : i32, i32
  }
  func.func @transform_14(%arg0: i32, %arg1: i32) -> (i32, i32) {
    %c0_i32 = arith.constant 0 : i32
    %c0_i32_0 = arith.constant 0 : i32
    %c0_i32_1 = arith.constant 0 : i32
    return %c0_i32, %c0_i32_0 : i32, i32
  }
}

</mosaic_0001>

<sc_bundles>
// kernel: kernel.4.cloned.1.call-start
scs
__scs_entry_jumppad:
0x0: {  	(pc) =	sbr.rel $0x88, $3  }
0x1: {  	(tag) =	ssettag $0x0;
	lr =	simm.s32 $0x1  }
0x2: {  	[smem:$0x3F94] =	sst lr;
	_ =	strace $0xD0000000  }
0x3: {  	_ = 	snop  }
0x4: {  	_ = 	snop  }
0x5: {  	_ = 	snop  }
0x6: {  	_ = 	snop  }
0x7: {  	_ = 	snop  }
__scs_overlays_trampoline_lowered:
0x8: {  	[smem:$0x3FA3] =	sst s0  }
0x9: {  	[smem:$0x3FA4] =	sst s1  }
0xa: {  	[smem:$0x3FA5] =	sst s2  }
0xb: {  	[smem:$0x3FA6] =	sst s3  }
0xc: {  	[smem:$0x3FA7] =	sst s4  }
0xd: {  	[smem:$0x3FA8] =	sst s5  }
0xe: {  	[smem:$0x3FA9] =	sst s6  }
0xf: {  	[smem:$0x3FAA] =	sst s7  }
0x10: {  	[smem:$0x3FAB] =	sst s8  }
0x11: {  	[smem:$0x3FAC] =	sst s9;
	s0 =	simm.s32 @!p0 $0x0  }
0x12: {  	s1 =	sld [smem:$0x3F92];
	s0 =	simm.s32 @p0 $0x1  }
0x13: {  	[smem:$0x3FAD] =	sst s0;
	s0 =	simm.s32 @!p1 $0x0  }
0x14: {  	s2 =	sld [smem:$0x3F91];
	s0 =	simm.s32 @p1 $0x1  }
0x15: {  	[smem:$0x3FAE] =	sst s0;
	s0 =	simm.s32 @!p2 $0x0  }
0x16: {  	s3 =	sld [smem:$0x3FDB];
	s0 =	simm.s32 @p2 $0x1  }
0x17: {  	s4 =	simm.s32 $0x1BF5;
	[smem:$0x3FB0] =	sst s0  }
0x18: {  	s0 =	sld [smem:$0x3F93];
	_ =	swait.ge [sflag:s4], $0x0  }
0x19: {  	s7 =	sld [smem:$0x3F94]  }
0x1a: {  	s8 =	sadd.s32 $0xFFFFE003, lr  }
0x1b: {  	s9 =	sadd.s32 $0xFFFFFEF7, lr;
	s5 =	simm.s32 $0xFFFFFFFF;
	p2 =	slt.u32 s8, $0xFFFFF086  }
0x1c: {  	p1 =	slt.u32 s9, $0xF7A;
	s5 =	simm.s32 @!p2 $0x0  }
0x1d: {  	s5 =	simm.s32 @p1 $0x1;
	p0 =	seq.s32 s7, s2  }
0x1e: {  	s7 =	smul.u32 @!p0 $0xF7A, s2;
	p2 =	seq.s32 @!p0 s5, $0x0  }
0x1f: {  	s9 =	smul.u32 $0xF7A, s1;
	s8 =	simm.s32 @!p0 $0x1BF5;
	p2 =	por !p2, p0  }
0x20: {  	[sflag:s8] =	ssyncset.s32 @!p0 $0xFFFFF086;
	s6 =	sadd.s32 @!p0 s3, s7;
	s7 =	simm.s32 @!p0 $0x108  }
0x21: {  	s3 =	sadd.s32 s3, s9;
	s6 =	sadd.s32 @!p0 $0x88, s6;
	s7 =	simm.s32 @p2 $0x1082  }
0x22: {  	[simem:s7], [sflag:s8] =	dma.local @!p0 [hbm:s6], $0xF7A  }
0x23: {  	s9 =	sor.u32 $0xD0000000, s2;
	s6 =	simm.s32 $0x108;
	_ =	swait.ge @!p0 [sflag:s8], $0x0  }
0x24: {  	s3 =	sadd.s32 $0x88, s3;
	s6 =	simm.s32 @!p1 $0x1082;
	[sflag:s4] =	ssyncset.s32 $0xFFFFF086  }
0x25: {  	[simem:s6], [sflag:s4] =	dma.local [hbm:s3], $0xF7A  }
0x26: {  	[smem:$0x3F94] =	sst s1;
	(tag) =	ssettag s2;
	_ =	strace s9  }
0x27: {  	s1 =	sld [smem:$0x3FA4]  }
0x28: {  	s2 =	sld [smem:$0x3FA5]  }
0x29: {  	s4 =	sld [smem:$0x3FA7]  }
0x2a: {  	p0 =	seq.s32 s5, $0x0;
	s5 =	sld [smem:$0x3FA8]  }
0x2b: {  	s6 =	sld [smem:$0x3FA9]  }
0x2c: {  	s7 =	sld [smem:$0x3FAA]  }
0x2d: {  	s3 =	simm.s32 $0x108;
	s8 =	sld [smem:$0x3FAB]  }
0x2e: {  	s3 =	simm.s32 @!p0 $0x1082;
	s9 =	sld [smem:$0x3FAC]  }
0x2f: {  	lr =	sadd.s32 s0, s3;
	s0 =	sld [smem:$0x3FA3]  }
0x30: {  	s3 =	sld [smem:$0x3FA6]  }
0x31: {  	[smem:$0x3FAF] =	sst s10  }
0x32: {  	s10 =	sld [smem:$0x3FAD];
	_ =	sdelay $0x3  }
0x33: {  	p0 =	seq.s32 s10, $0x1;
	s10 =	sld [smem:$0x3FAF];
	_ =	sdelay $0x3  }
0x34: {  	[smem:$0x3FAF] =	sst s10  }
0x35: {  	s10 =	sld [smem:$0x3FAE];
	_ =	sdelay $0x3  }
0x36: {  	p1 =	seq.s32 s10, $0x1;
	s10 =	sld [smem:$0x3FAF];
	_ =	sdelay $0x3  }
0x37: {  	[smem:$0x3FAF] =	sst s10  }
0x38: {  	s10 =	sld [smem:$0x3FB0]  }
0x39: {  	_ = 	snop;
	(pc) =	sbr.ind lr, $3  }
0x3a: {  	_ = 	snop  }
0x3b: {  	_ = 	snop  }
0x3c: {  	p2 =	seq.s32 s10, $0x1;
	s10 =	sld [smem:$0x3FAF]  }
0x3d: {  	_ =	shalt  }
0x3e: {  	_ =	shalt  }
0x3f: {  	_ =	shalt  }
0x40: {  	_ =	shalt  }
0x41: {  	_ =	shalt  }
0x42: {  	_ =	shalt  }
0x43: {  	_ =	shalt  }
0x44: {  	_ =	shalt  }
0x45: {  	_ =	shalt  }
0x46: {  	_ =	shalt  }
0x47: {  	_ =	shalt  }
0x48: {  	_ =	shalt  }
0x49: {  	_ =	shalt  }
0x4a: {  	_ =	shalt  }
0x4b: {  	_ =	shalt  }
0x4c: {  	_ =	shalt  }
0x4d: {  	_ =	shalt  }
0x4e: {  	_ =	shalt  }
0x4f: {  	_ =	shalt  }
0x50: {  	_ =	shalt  }
0x51: {  	_ =	shalt  }
0x52: {  	_ =	shalt  }
0x53: {  	_ =	shalt  }
0x54: {  	_ =	shalt  }
0x55: {  	_ =	shalt  }
0x56: {  	_ =	shalt  }
0x57: {  	_ =	shalt  }
0x58: {  	_ =	shalt  }
0x59: {  	_ =	shalt  }
0x5a: {  	_ =	shalt  }
0x5b: {  	_ =	shalt  }
0x5c: {  	_ =	shalt  }
0x5d: {  	_ =	shalt  }
0x5e: {  	_ =	shalt  }
0x5f: {  	_ =	shalt  }
0x60: {  	_ =	shalt  }
0x61: {  	_ =	shalt  }
0x62: {  	_ =	shalt  }
0x63: {  	_ =	shalt  }
0x64: {  	_ =	shalt  }
0x65: {  	_ =	shalt  }
0x66: {  	_ =	shalt  }
0x67: {  	_ =	shalt  }
0x68: {  	_ =	shalt  }
0x69: {  	_ =	shalt  }
0x6a: {  	_ =	shalt  }
0x6b: {  	_ =	shalt  }
0x6c: {  	_ =	shalt  }
0x6d: {  	_ =	shalt  }
0x6e: {  	_ =	shalt  }
0x6f: {  	_ =	shalt  }
0x70: {  	_ =	shalt  }
0x71: {  	_ =	shalt  }
0x72: {  	_ =	shalt  }
0x73: {  	_ =	shalt  }
0x74: {  	_ =	shalt  }
0x75: {  	_ =	shalt  }
0x76: {  	_ =	shalt  }
0x77: {  	_ =	shalt  }
0x78: {  	_ =	shalt  }
0x79: {  	_ =	shalt  }
0x7a: {  	_ =	shalt  }
0x7b: {  	_ =	shalt  }
0x7c: {  	_ =	shalt  }
0x7d: {  	_ =	shalt  }
0x7e: {  	_ =	shalt  }
0x7f: {  	_ =	shalt  }
0x80: {  	_ =	shalt  }
0x81: {  	_ =	shalt  }
0x82: {  	_ =	shalt  }
0x83: {  	_ =	shalt  }
0x84: {  	_ =	shalt  }
0x85: {  	_ =	shalt  }
0x86: {  	_ =	shalt  }
0x87: {  	_ =	shalt  }
.Lfunc_end0:
.L_simem_size_0:
called_computation_lowered:
.L_overlay_start_0:
0x88: {  	s2 =	sld [smem:$0x3FD9]  }
0x89: {  	s3 =	sld [smem:$0x3FFE];
	_ =	sdelay $0x1  }
0x8a: {  	s1 =	srdreg.scid  }
0x8b: {  	s0 =	sand.u32 $0x1, s1  }
0x8c: {  	s17 =	sshll.u32 s0, $0xA;
	s2 =	sadd.s32 s3, s2  }
0x8d: {  	s2 =	sadd.s32 s2, s17  }
0x8e: {  	[smem:$0x3FBB] =	sst s2  }
0x8f: {  	_ = 	snop  }
0x90: {  	s2 =	sld [smem:$0x3FC8];
	(tm) =	ssettm $0x1  }
0x91: {  	s18 =	sld [smem:$0x3FFB];
	_ =	sdelay $0x3  }
0x92: {  	_ =	strace s18  }
0x93: {  	s3 =	sld [smem:$0x3FFC];
	_ =	sdelay $0x3  }
0x94: {  	_ =	strace s3  }
0x95: {  	s3 =	sld [smem:$0x3FFD];
	_ =	sdelay $0x3  }
0x96: {  	_ =	strace s3  }
0x97: {  	_ =	strace $0x8FFFFFFF  }
0x98: {  	s19 =	sld [smem:$0x3FDB];
	_ =	sdelay $0x1  }
0x99: {  	s4 =	simm.s32 $_scs_section_size  }
0x9a: {  	s5 =	simm.s32 $_size__tile_overlayer_lowered;
	s6 =	simm.s32 $_tile_overlayer_lowered  }
0x9b: {  	s22 =	simm.s32 $0x1BFF;
	s21 =	sshll.u32 s6, $0x1;
	s3 =	sadd.s32 s4, s19  }
0x9c: {  	s7 =	simm.s32 $0x0;
	s20 =	sshll.u32 s5, $0x1;
	s5 =	sadd.s32 s21, s3  }
0x9d: {  	[timem:s7], [sflag:s22] =	dma.local [hbm:s5], s20  }
0x9e: {  	_ =	swait.ge [sflag:s22], s20  }
0x9f: {  	s4 =	ssub.s32 $0x0, s20;
	[sflag:s22] =	ssyncset.done $0x0  }
0xa0: {  	[sflag:s22] =	ssyncadd.s32 s4;
	_ =	sdelay $0x1  }
0xa1: {  	s23 =	simm.s32 $0x1B8B  }
0xa2: {  	_ =	swait.ge [sflag:s23], $0x1  }
0xa3: {  	[sflag:s23] =	ssyncset.done $0x0  }
0xa4: {  	s25 =	simm.s32 $0x1B8E;
	s24 =	sld [smem:$0x3FFE];
	[sflag:s23] =	ssyncadd.s32 $0xFFFFFFFF  }
0xa5: {  	s26 =	simm.s32 $execute0_lowered;
	[smem:$0x3FD2] =	sst s25  }
0xa6: {  	s5 =	sshll.u32 s26, $0x1;
	_ =	strace $0x80000046;
	[dreg:$0x1] =	wrdreg $0xFFFFFFFF  }
0xa7: {  	s28 =	simm.s32 $_size_execute0_lowered;
	s3 =	sadd.s32 s3, s5;
	[dreg:$0x0] =	wrdreg $0x0  }
0xa8: {  	s5 =	sshll.u32 s28, $0x1;
	[dreg:$0x2] =	wrdreg s3  }
0xa9: {  	[dreg:$0x3] =	wrdreg s5  }
0xaa: {  	[dreg:$0x4] =	wrdreg $0xC0  }
0xab: {  	_ =	task [dreg:s7], $0x5FFFF  }
0xac: {  	[dreg:$0x1] =	wrdreg $0xFFFFFFFF  }
0xad: {  	[dreg:$0x0] =	wrdreg $0x60  }
0xae: {  	[dreg:$0x2] =	wrdreg s24  }
0xaf: {  	[dreg:$0x3] =	wrdreg s2  }
0xb0: {  	[dreg:$0x4] =	wrdreg $0x9  }
0xb1: {  	_ =	task.clear_ibuf [dreg:s7], $0x5FFFF;
	_ =	strace $0x90000046  }
0xb2: {  	s29 =	simm.s32 $0x9;
	_ =	strace $0x80000048  }
0xb3: {  	_ =	swait.ge [sflag:s29], $0x1  }
0xb4: {  	[sflag:s29] =	ssyncadd.s32 $0xFFFFFFFF  }
0xb5: {  	_ =	strace $0x90000048  }
0xb6: {  	_ =	sfence  }
0xb7: {  	s30 =	sld [smem:$0x0];
	_ =	sdelay $0x2  }
0xb8: {  	s31 =	sshll.u32 s1, $0xD;
	s1 =	sshrl.u32 s1, $0x2  }
0xb9: {  	s3 =	sand.u32 $0x4000, s31;
	s1 =	sadd.s32 s1, s30  }
0xba: {  	s0 =	sor.u32 s3, s0;
	s1 =	sshll.u32 s1, $0x11  }
0xbb: {  	s0 =	sor.u32 s1, s0  }
0xbc: {  	s0 =	sadd.s32 $0x8F2B, s0  }
0xbd: {  	[sflag:s0] =	ssyncadd.remote.s32 $0x1  }
0xbe: {  	_ =	sfence.sel $0xFFFF  }
0xbf: {  	[dreg:$0x0] =	wrdreg $0xFFFFFFFF;
	(pc) =	sbr.abs _section_cstart, $3  }
0xc0: {  	[dreg:$0x1] =	wrdreg $0xFFFFFFFF  }
0xc1: {  	_ =	task.clear_ibuf [dreg:s7], $0x2FFFF;
	_ =	strace $0x9FFFFFFF  }
0xc2: {  	(tm) =	ssettm $0x7FFFFFFF  }
0xc3: {  	_ =	shalt  }
tec
execute0_lowered:
.L_overlay_start_1:
0x0: {  	(tag) =	ssettag $0x1  }
0x1: {  	s0 =	rddreg [dreg:$0x0]  }
0x2: {  	s2 =	rddreg [dreg:$0x1];
	s1 =	srdreg.scid  }
0x3: {  	s3 =	stileid.u32;
	s4 =	simm.s32 $0x0;
	s10 =	simm.s32 $0x2  }
0x4: {  	s28 =	simm.s32 $0x9000;
	s29 =	simm.s32 $0x9800;
	s30 =	simm.s32 $0xA000  }
0x5: {  	s31 =	simm.s32 $0xA800;
	s9 =	simm.s32 $0xD000;
	s11 =	simm.s32 $0xD800  }
0x6: {  	s12 =	simm.s32 $0xE000;
	s13 =	simm.s32 $0xE800;
	s14 =	simm.s32 $0x1  }
0x7: {  	s15 =	simm.s32 $0x80;
	s16 =	simm.s32 $0x400;
	s17 =	simm.s32 $0xF000  }
0x8: {  	s19 =	simm.s32 $0x0;
	s1 =	sand.u32 $0x1, s1;
	s3 =	sshll.u32 s3, $0x1  }
0x9: {  	[smem:$0x7FF] =	sst s4;
	s6 =	sadd.s32 $0x200, s2;
	s7 =	sadd.s32 $0x300, s2  }
0xa: {  	s3 =	sor.u32 s1, s3;
	_ =	strace $0x80000047;
	s1 =	ssub.s32 $0x2, s1  }
0xb: {  	s24 =	sshll.u32 s3, $0x9;
	s3 =	sshll.u32 s3, $0xC;
	s5 =	sshrl.u32 s1, $0x1  }
0xc: {  	s4 =	sadd.s32 s24, s0;
	s0 =	sadd.s32 s3, s0;
	s1 =	ssub.s32 s1, s5  }
0xd: {  	s5 =	sadd.s32 $0x100, s2;
	s3 =	simm.s32 $0xC000;
	s25 =	sadd.s32 $0x1200, s4  }
0xe: {  	v2 =	vlaneseq.u32;
	s8 =	sadd.s32 $0x5200, s0;
	s26 =	smax.u32 s1, $0x1;
	s0 =	simm.s32 $0xB000  }
0xf: {  	vm0 =	vmmov $0xffff;
	v1 =	vshrl.u32 v2, $0x3;
	s1 =	simm.s32 $0xB800;
	s4 =	simm.s32 $0xC800;
	[dreg:$0x3] =	wrdreg s25  }
0x10: {  	v0 =	vand.u32 $0x7, v2;
	v2 =	vor.u32 $0x8, v2;
	v1 =	vmul.u32 $0x8, v1;
	[dreg:$0x4] =	wrdreg s26;
	s25 =	simm.s32 $0x8000;
	s26 =	simm.s32 $0x8800  }
.LBB2_1:
0x11: {  	[dreg:$0x5] =	wrdreg s19  }
0x12: {  	s18 =	simm.s32 $0x0;
	s24 =	rddreg [dreg:$0x3]  }
0x13: {  	[tilespmem:s18], [sflag:$0x2] =	stream.linear.gather [hbm4b:s24+s18], $0x1000, $0x38;
	[tilespmem:$0xF400] =	vst v63  }
0x14: {  	_ =	swait.ge [sflag:s10], $0x1000  }
0x15: {  	[sflag:s10] =	ssyncset.done $0x0  }
0x16: {  	s18 =	simm.s32 $0x0;
	[sflag:s10] =	ssyncadd.s32 $0xFFFFF000  }
.LBB2_2:
0x17: {  	s19 =	sshll.u32 s18, $0x7  }
0x18: {  	s20 =	sand.u32 $0x3FFFFF80, s19  }
0x19: {  	v3 =	vld [tilespmem:s20+$0x0];
	_ =	sdelay $0x4  }
0x1a: {  	v4 =	vshll.u32 v3, $0x3  }
0x1b: {  	v3 =	vand.u32 $0x7, v3;
	v4 =	vand.u32 $0xFFFFFFC0, v4  }
0x1c: {  	v3 =	vor.u32 v3, v4  }
0x1d: {  	v4 =	vperm.xlane v3, v0;
	_ =	sdelay $0x1  }
0x1e: {  	v4 =	vadd.s32 v1, v4;
	_ =	sdelay $0x3  }
0x1f: {  	s21 =	simm.s32 $0x0;
	s22 =	simm.s32 $0x1000  }
0x20: {  	[tilespmem:s22], [sflag:$0x1] =	stream.indirect_vreg.gather [hbm4b:s2+s21], $0x80, v4, vm0, $0xb8;
	[tilespmem:$0xF400] =	vst v63  }
0x21: {  	s24 =	simm.s32 $0x1800;
	v3 =	vperm.xlane v3, v2  }
0x22: {  	[tilespmem:s24], [sflag:$0x1] =	stream.indirect_vreg.gather [hbm4b:s5+s21], $0x80, v4, vm0, $0xb8;
	[tilespmem:$0xF400] =	vst v63  }
0x23: {  	s23 =	simm.s32 $0x2000;
	v3 =	vadd.s32 v1, v3  }
0x24: {  	[tilespmem:s23], [sflag:$0x1] =	stream.indirect_vreg.gather [hbm4b:s6+s21], $0x80, v4, vm0, $0xb8;
	[tilespmem:$0xF400] =	vst v63  }
0x25: {  	s24 =	simm.s32 $0x2800  }
0x26: {  	[tilespmem:s24], [sflag:$0x1] =	stream.indirect_vreg.gather [hbm4b:s7+s21], $0x80, v4, vm0, $0xb8;
	[tilespmem:$0xF400] =	vst v63  }
0x27: {  	s23 =	simm.s32 $0x3000  }
0x28: {  	[tilespmem:s23], [sflag:$0x1] =	stream.indirect_vreg.gather [hbm4b:s2+s21], $0x80, v3, vm0, $0xb8;
	[tilespmem:$0xF400] =	vst v63  }
0x29: {  	s24 =	simm.s32 $0x3800  }
0x2a: {  	[tilespmem:s24], [sflag:$0x1] =	stream.indirect_vreg.gather [hbm4b:s5+s21], $0x80, v3, vm0, $0xb8;
	[tilespmem:$0xF400] =	vst v63  }
0x2b: {  	s23 =	simm.s32 $0x4000  }
0x2c: {  	[tilespmem:s23], [sflag:$0x1] =	stream.indirect_vreg.gather [hbm4b:s6+s21], $0x80, v3, vm0, $0xb8;
	[tilespmem:$0xF400] =	vst v63  }
0x2d: {  	s24 =	simm.s32 $0x4800  }
0x2e: {  	[tilespmem:s24], [sflag:$0x1] =	stream.indirect_vreg.gather [hbm4b:s7+s21], $0x80, v3, vm0, $0xb8;
	[tilespmem:$0xF400] =	vst v63  }
0x2f: {  	v3 =	vld [tilespmem:s20+$0x10];
	_ =	sdelay $0x4  }
0x30: {  	v4 =	vshll.u32 v3, $0x3  }
0x31: {  	v3 =	vand.u32 $0x7, v3;
	v4 =	vand.u32 $0xFFFFFFC0, v4  }
0x32: {  	v3 =	vor.u32 v3, v4  }
0x33: {  	v4 =	vperm.xlane v3, v0;
	_ =	sdelay $0x1  }
0x34: {  	v4 =	vadd.s32 v1, v4;
	_ =	sdelay $0x3  }
0x35: {  	s23 =	simm.s32 $0x5000  }
0x36: {  	[tilespmem:s23], [sflag:$0x1] =	stream.indirect_vreg.gather [hbm4b:s2+s21], $0x80, v4, vm0, $0xb8;
	[tilespmem:$0xF400] =	vst v63  }
0x37: {  	s24 =	simm.s32 $0x5800;
	v3 =	vperm.xlane v3, v2  }
0x38: {  	[tilespmem:s24], [sflag:$0x1] =	stream.indirect_vreg.gather [hbm4b:s5+s21], $0x80, v4, vm0, $0xb8;
	[tilespmem:$0xF400] =	vst v63  }
0x39: {  	v3 =	vadd.s32 v1, v3;
	s23 =	simm.s32 $0x6000  }
0x3a: {  	[tilespmem:s23], [sflag:$0x1] =	stream.indirect_vreg.gather [hbm4b:s6+s21], $0x80, v4, vm0, $0xb8;
	[tilespmem:$0xF400] =	vst v63  }
0x3b: {  	s24 =	simm.s32 $0x6800  }
0x3c: {  	[tilespmem:s24], [sflag:$0x1] =	stream.indirect_vreg.gather [hbm4b:s7+s21], $0x80, v4, vm0, $0xb8;
	[tilespmem:$0xF400] =	vst v63  }
0x3d: {  	s23 =	simm.s32 $0x7000  }
0x3e: {  	[tilespmem:s23], [sflag:$0x1] =	stream.indirect_vreg.gather [hbm4b:s2+s21], $0x80, v3, vm0, $0xb8;
	[tilespmem:$0xF400] =	vst v63  }
0x3f: {  	s24 =	simm.s32 $0x7800  }
0x40: {  	[tilespmem:s24], [sflag:$0x1] =	stream.indirect_vreg.gather [hbm4b:s5+s21], $0x80, v3, vm0, $0xb8;
	[tilespmem:$0xF400] =	vst v63  }
0x41: {  	_ = 	snop  }
0x42: {  	[tilespmem:s25], [sflag:$0x1] =	stream.indirect_vreg.gather [hbm4b:s6+s21], $0x80, v3, vm0, $0xb8;
	[tilespmem:$0xF400] =	vst v63  }
0x43: {  	_ = 	snop  }
0x44: {  	[tilespmem:s26], [sflag:$0x1] =	stream.indirect_vreg.gather [hbm4b:s7+s21], $0x80, v3, vm0, $0xb8;
	[tilespmem:$0xF400] =	vst v63  }
0x45: {  	v3 =	vld [tilespmem:s20+$0x20];
	_ =	sdelay $0x4  }
0x46: {  	v4 =	vshll.u32 v3, $0x3  }
0x47: {  	v3 =	vand.u32 $0x7, v3;
	v4 =	vand.u32 $0xFFFFFFC0, v4  }
0x48: {  	v3 =	vor.u32 v3, v4  }
0x49: {  	v4 =	vperm.xlane v3, v0;
	_ =	sdelay $0x1  }
0x4a: {  	v4 =	vadd.s32 v1, v4;
	_ =	sdelay $0x4  }
0x4b: {  	[tilespmem:s28], [sflag:$0x1] =	stream.indirect_vreg.gather [hbm4b:s2+s21], $0x80, v4, vm0, $0xb8;
	[tilespmem:$0xF400] =	vst v63  }
0x4c: {  	v3 =	vperm.xlane v3, v2  }
0x4d: {  	[tilespmem:s29], [sflag:$0x1] =	stream.indirect_vreg.gather [hbm4b:s5+s21], $0x80, v4, vm0, $0xb8;
	[tilespmem:$0xF400] =	vst v63  }
0x4e: {  	v3 =	vadd.s32 v1, v3  }
0x4f: {  	[tilespmem:s30], [sflag:$0x1] =	stream.indirect_vreg.gather [hbm4b:s6+s21], $0x80, v4, vm0, $0xb8;
	[tilespmem:$0xF400] =	vst v63  }
0x50: {  	_ = 	snop  }
0x51: {  	[tilespmem:s31], [sflag:$0x1] =	stream.indirect_vreg.gather [hbm4b:s7+s21], $0x80, v4, vm0, $0xb8;
	[tilespmem:$0xF400] =	vst v63  }
0x52: {  	_ = 	snop  }
0x53: {  	[tilespmem:s0], [sflag:$0x1] =	stream.indirect_vreg.gather [hbm4b:s2+s21], $0x80, v3, vm0, $0xb8;
	[tilespmem:$0xF400] =	vst v63  }
0x54: {  	_ = 	snop  }
0x55: {  	[tilespmem:s1], [sflag:$0x1] =	stream.indirect_vreg.gather [hbm4b:s5+s21], $0x80, v3, vm0, $0xb8;
	[tilespmem:$0xF400] =	vst v63  }
0x56: {  	_ = 	snop  }
0x57: {  	[tilespmem:s3], [sflag:$0x1] =	stream.indirect_vreg.gather [hbm4b:s6+s21], $0x80, v3, vm0, $0xb8;
	[tilespmem:$0xF400] =	vst v63  }
0x58: {  	s20 =	sor.u32 $0x30, s20  }
0x59: {  	[tilespmem:s4], [sflag:$0x1] =	stream.indirect_vreg.gather [hbm4b:s7+s21], $0x80, v3, vm0, $0xb8;
	[tilespmem:$0xF400] =	vst v63  }
0x5a: {  	v3 =	vld.msk [tilespmem:s20+$0x0], $0xff;
	_ =	sdelay $0x4  }
0x5b: {  	v4 =	vshll.u32 v3, $0x3  }
0x5c: {  	v3 =	vand.u32 $0x7, v3;
	v4 =	vand.u32 $0xFFFFFFC0, v4  }
0x5d: {  	v3 =	vor.u32 v3, v4  }
0x5e: {  	v3 =	vperm.xlane v3, v0;
	_ =	sdelay $0x1  }
0x5f: {  	v3 =	vadd.s32 v1, v3;
	_ =	sdelay $0x4  }
0x60: {  	[tilespmem:s9], [sflag:$0x1] =	stream.indirect_vreg.gather [hbm4b:s2+s21], $0x80, v3, vm0, $0xb8;
	[tilespmem:$0xF400] =	vst v63  }
0x61: {  	_ = 	snop  }
0x62: {  	[tilespmem:s11], [sflag:$0x1] =	stream.indirect_vreg.gather [hbm4b:s5+s21], $0x80, v3, vm0, $0xb8;
	[tilespmem:$0xF400] =	vst v63  }
0x63: {  	_ = 	snop  }
0x64: {  	[tilespmem:s12], [sflag:$0x1] =	stream.indirect_vreg.gather [hbm4b:s6+s21], $0x80, v3, vm0, $0xb8;
	[tilespmem:$0xF400] =	vst v63  }
0x65: {  	_ = 	snop  }
0x66: {  	[tilespmem:s13], [sflag:$0x1] =	stream.indirect_vreg.gather [hbm4b:s7+s21], $0x80, v3, vm0, $0xb8;
	[tilespmem:$0xF400] =	vst v63  }
0x67: {  	_ =	swait.ge [sflag:s14], $0xE000  }
0x68: {  	s23 =	sand.u32 $0x70, s21;
	s21 =	sand.u32 $0x1C00, s21;
	[sflag:s14] =	ssyncset.done $0x0  }
0x69: {  	s20 =	sor.u32 s23, s21;
	[sflag:s14] =	ssyncadd.s32 $0xFFFF2000  }
0x6a: {  	v3 =	vld [tilespmem:s20+$0xB000]  }
0x6b: {  	v4 =	vld [tilespmem:s20+$0xB200]  }
0x6c: {  	v5 =	vld [tilespmem:s20+$0xB100]  }
0x6d: {  	v6 =	vld [tilespmem:s20+$0xB300]  }
0x6e: {  	v7 =	vld [tilespmem:s20+$0xB080]  }
0x6f: {  	v8 =	vld [tilespmem:s20+$0xB280]  }
0x70: {  	v9 =	vld [tilespmem:s20+$0xB180]  }
0x71: {  	v10 =	vld [tilespmem:s20+$0xB380]  }
0x72: {  	v11 =	vld [tilespmem:s20+$0x9000]  }
0x73: {  	v12 =	vld [tilespmem:s20+$0x9200]  }
0x74: {  	v13 =	vld [tilespmem:s20+$0x9100]  }
0x75: {  	v14 =	vld [tilespmem:s20+$0x9300]  }
0x76: {  	v15 =	vld [tilespmem:s20+$0x9080]  }
0x77: {  	v16 =	vld [tilespmem:s20+$0x9280]  }
0x78: {  	v17 =	vld [tilespmem:s20+$0x9180]  }
0x79: {  	v18 =	vld [tilespmem:s20+$0x9380]  }
0x7a: {  	v19 =	vld [tilespmem:s20+$0x7000]  }
0x7b: {  	v20 =	vld [tilespmem:s20+$0x7200]  }
0x7c: {  	v21 =	vld [tilespmem:s20+$0x7100]  }
0x7d: {  	v22 =	vld [tilespmem:s20+$0x7300]  }
0x7e: {  	v23 =	vld [tilespmem:s20+$0x7080]  }
0x7f: {  	v24 =	vld [tilespmem:s20+$0x7280]  }
0x80: {  	v25 =	vld [tilespmem:s20+$0x7180]  }
0x81: {  	v26 =	vld [tilespmem:s20+$0x7380]  }
0x82: {  	v27 =	vld [tilespmem:s20+$0x5000]  }
0x83: {  	v28 =	vld [tilespmem:s20+$0x5200]  }
0x84: {  	v29 =	vld [tilespmem:s20+$0x5100]  }
0x85: {  	v30 =	vld [tilespmem:s20+$0x5300]  }
0x86: {  	v31 =	vld [tilespmem:s20+$0x5080]  }
0x87: {  	v32 =	vld [tilespmem:s20+$0x5280]  }
0x88: {  	v33 =	vld [tilespmem:s20+$0x5180]  }
0x89: {  	v34 =	vld [tilespmem:s20+$0x5380]  }
0x8a: {  	v35 =	vld [tilespmem:s20+$0x1200]  }
0x8b: {  	v36 =	vld [tilespmem:s20+$0x1000]  }
0x8c: {  	v37 =	vld [tilespmem:s20+$0x1100]  }
0x8d: {  	v38 =	vld [tilespmem:s20+$0x1300]  }
0x8e: {  	v39 =	vld [tilespmem:s20+$0x1080]  }
0x8f: {  	v40 =	vld [tilespmem:s20+$0x1280]  }
0x90: {  	v41 =	vld [tilespmem:s20+$0x1180]  }
0x91: {  	v42 =	vld [tilespmem:s20+$0x1380]  }
0x92: {  	v43 =	vld [tilespmem:s20+$0x3000];
	v3 =	vadd.f32 v4, v3;
	v4 =	vadd.f32 v6, v5  }
0x93: {  	v44 =	vld [tilespmem:s20+$0x3200];
	v6 =	vadd.f32 v8, v7;
	v7 =	vadd.f32 v10, v9  }
0x94: {  	v5 =	vld [tilespmem:s20+$0x3100];
	v9 =	vadd.f32 v12, v11;
	v10 =	vadd.f32 v14, v13  }
0x95: {  	v8 =	vld [tilespmem:s20+$0x3300];
	v12 =	vadd.f32 v16, v15;
	v13 =	vadd.f32 v18, v17  }
0x96: {  	v11 =	vld [tilespmem:s20+$0x3080];
	v15 =	vadd.f32 v20, v19;
	v16 =	vadd.f32 v22, v21  }
0x97: {  	v14 =	vld [tilespmem:s20+$0x3280];
	v18 =	vadd.f32 v24, v23;
	v19 =	vadd.f32 v26, v25  }
0x98: {  	v17 =	vld [tilespmem:s20+$0x3180];
	v21 =	vadd.f32 v28, v27;
	v22 =	vadd.f32 v30, v29  }
0x99: {  	v20 =	vld [tilespmem:s20+$0x3380];
	v23 =	vadd.f32 v32, v31;
	v24 =	vadd.f32 v34, v33  }
0x9a: {  	v25 =	vadd.f32 v35, v36;
	v26 =	vadd.f32 v38, v37  }
0x9b: {  	v27 =	vadd.f32 v40, v39;
	v28 =	vadd.f32 v42, v41  }
0x9c: {  	v29 =	vadd.f32 v44, v43;
	v9 =	vadd.f32 v10, v9  }
0x9d: {  	v10 =	vadd.f32 v13, v12;
	v5 =	vadd.f32 v8, v5  }
0x9e: {  	v8 =	vadd.f32 v14, v11;
	v11 =	vadd.f32 v20, v17  }
0x9f: {  	v14 =	vadd.f32 v26, v25;
	v17 =	vadd.f32 v28, v27  }
0xa0: {  	v5 =	vadd.f32 v5, v29;
	v8 =	vadd.f32 v11, v8  }
0xa1: {  	v20 =	vadd.f32 v24, v23;
	v11 =	vadd.f32 v22, v21  }
0xa2: {  	v14 =	vadd.f32 v17, v14;
	v5 =	vadd.f32 v8, v5  }
0xa3: {  	v8 =	vadd.f32 v16, v15;
	v15 =	vadd.f32 v19, v18  }
0xa4: {  	v11 =	vadd.f32 v20, v11;
	v5 =	vadd.f32 v5, v14  }
0xa5: {  	v3 =	vadd.f32 v4, v3;
	v4 =	vadd.f32 v7, v6  }
0xa6: {  	v6 =	vld [tilespmem:s20+$0xD080];
	v8 =	vadd.f32 v15, v8;
	v5 =	vadd.f32 v11, v5  }
0xa7: {  	v11 =	vld [tilespmem:s20+$0xD000]  }
0xa8: {  	v7 =	vadd.f32 v10, v9;
	v5 =	vadd.f32 v8, v5;
	_ =	sdelay $0x1  }
0xa9: {  	v3 =	vadd.f32 v4, v3;
	v5 =	vadd.f32 v7, v5;
	_ =	sdelay $0x1  }
0xaa: {  	v4 =	vadd.f32 v6, v11;
	v3 =	vadd.f32 v3, v5;
	_ =	sdelay $0x1  }
0xab: {  	v3 =	vadd.f32 v3, v4;
	_ =	sdelay $0x1  }
0xac: {  	s22 =	simm.s32 $0x80;
	s24 =	simm.s32 $0x10;
	v3 =	vmul.f32 $1.999999960e-02, v3  }
0xad: {  	s21 =	sand.u32 $0x70, s24;
	s23 =	sand.u32 $0x1C00, s22;
	s20 =	simm.s32 $0xF000  }
0xae: {  	s21 =	sor.u32 s21, s23;
	[tilespmem:s20+$0x0] =	vst v3  }
0xaf: {  	v3 =	vld [tilespmem:s21+$0xB000]  }
0xb0: {  	v4 =	vld [tilespmem:s21+$0xB200]  }
0xb1: {  	v5 =	vld [tilespmem:s21+$0xB100]  }
0xb2: {  	v6 =	vld [tilespmem:s21+$0xB300]  }
0xb3: {  	v16 =	vld [tilespmem:s21+$0xB080]  }
0xb4: {  	v17 =	vld [tilespmem:s21+$0xB280]  }
0xb5: {  	v20 =	vld [tilespmem:s21+$0xB180]  }
0xb6: {  	v23 =	vld [tilespmem:s21+$0xB380]  }
0xb7: {  	v54 =	vld [tilespmem:s21+$0x9000]  }
0xb8: {  	v55 =	vld [tilespmem:s21+$0x9200]  }
0xb9: {  	v56 =	vld [tilespmem:s21+$0x9100]  }
0xba: {  	v57 =	vld [tilespmem:s21+$0x9300]  }
0xbb: {  	v58 =	vld [tilespmem:s21+$0x9080]  }
0xbc: {  	v59 =	vld [tilespmem:s21+$0x9280]  }
0xbd: {  	v60 =	vld [tilespmem:s21+$0x9180]  }
0xbe: {  	v61 =	vld [tilespmem:s21+$0x9380]  }
0xbf: {  	v62 =	vld [tilespmem:s21+$0x7000]  }
0xc0: {  	v63 =	vld [tilespmem:s21+$0x7200]  }
0xc1: {  	v45 =	vld [tilespmem:s21+$0x7100]  }
0xc2: {  	v46 =	vld [tilespmem:s21+$0x7300]  }
0xc3: {  	v7 =	vld [tilespmem:s21+$0x7080]  }
0xc4: {  	v8 =	vld [tilespmem:s21+$0x7280]  }
0xc5: {  	v9 =	vld [tilespmem:s21+$0x7180]  }
0xc6: {  	v11 =	vld [tilespmem:s21+$0x7380]  }
0xc7: {  	v10 =	vld [tilespmem:s21+$0x5000]  }
0xc8: {  	v12 =	vld [tilespmem:s21+$0x5200]  }
0xc9: {  	v13 =	vld [tilespmem:s21+$0x5100]  }
0xca: {  	v14 =	vld [tilespmem:s21+$0x5300]  }
0xcb: {  	v15 =	vld [tilespmem:s21+$0x5080]  }
0xcc: {  	v18 =	vld [tilespmem:s21+$0x5280]  }
0xcd: {  	v19 =	vld [tilespmem:s21+$0x5180]  }
0xce: {  	v21 =	vld [tilespmem:s21+$0x5380]  }
0xcf: {  	v22 =	vld [tilespmem:s21+$0x1200]  }
0xd0: {  	v24 =	vld [tilespmem:s21+$0x1000]  }
0xd1: {  	v25 =	vld [tilespmem:s21+$0x1100]  }
0xd2: {  	v26 =	vld [tilespmem:s21+$0x1300]  }
0xd3: {  	v27 =	vld [tilespmem:s21+$0x1080]  }
0xd4: {  	v28 =	vld [tilespmem:s21+$0x1280]  }
0xd5: {  	v29 =	vld [tilespmem:s21+$0x1180]  }
0xd6: {  	v30 =	vld [tilespmem:s21+$0x1380]  }
0xd7: {  	v31 =	vld [tilespmem:s21+$0x3000]  }
0xd8: {  	v32 =	vld [tilespmem:s21+$0x3200];
	v3 =	vadd.f32 v4, v3;
	v4 =	vadd.f32 v6, v5  }
0xd9: {  	v35 =	vld [tilespmem:s21+$0x3100];
	v5 =	vadd.f32 v17, v16;
	v6 =	vadd.f32 v23, v20  }
0xda: {  	v36 =	vld [tilespmem:s21+$0x3300];
	v16 =	vadd.f32 v55, v54;
	v17 =	vadd.f32 v57, v56  }
0xdb: {  	v37 =	vld [tilespmem:s21+$0x3080];
	v20 =	vadd.f32 v59, v58;
	v23 =	vadd.f32 v61, v60  }
0xdc: {  	s23 =	simm.s32 $0x20;
	v38 =	vld [tilespmem:s21+$0x3280];
	v33 =	vadd.f32 v63, v62;
	v34 =	vadd.f32 v46, v45  }
.LBB2_3:
0xdd: {  	p0 =	sne.s32 s23, $0x3F0;
	v39 =	vld [tilespmem:s21+$0x3180];
	v7 =	vadd.f32 v8, v7;
	v8 =	vadd.f32 v11, v9  }
0xde: {  	v10 =	vadd.f32 v12, v10;
	v11 =	vadd.f32 v14, v13;
	v9 =	vld [tilespmem:s21+$0x3380]  }
0xdf: {  	v12 =	vadd.f32 v18, v15;
	v13 =	vadd.f32 v21, v19  }
0xe0: {  	v14 =	vadd.f32 v22, v24;
	v15 =	vadd.f32 v26, v25  }
0xe1: {  	v18 =	vadd.f32 v28, v27;
	v19 =	vadd.f32 v30, v29  }
0xe2: {  	v21 =	vadd.f32 v32, v31;
	v22 =	vadd.f32 v36, v35  }
0xe3: {  	v24 =	vadd.f32 v38, v37;
	v9 =	vadd.f32 v9, v39  }
0xe4: {  	v14 =	vadd.f32 v15, v14;
	v15 =	vadd.f32 v19, v18  }
0xe5: {  	v18 =	vadd.f32 v22, v21;
	v9 =	vadd.f32 v9, v24  }
0xe6: {  	v10 =	vadd.f32 v11, v10;
	v11 =	vadd.f32 v13, v12  }
0xe7: {  	v12 =	vadd.f32 v15, v14;
	v9 =	vadd.f32 v9, v18  }
0xe8: {  	v13 =	vadd.f32 v34, v33;
	v7 =	vadd.f32 v8, v7  }
0xe9: {  	v8 =	vadd.f32 v9, v12;
	v9 =	vadd.f32 v11, v10  }
0xea: {  	v10 =	vadd.f32 v17, v16;
	v11 =	vadd.f32 v23, v20  }
0xeb: {  	v7 =	vadd.f32 v7, v13;
	v8 =	vadd.f32 v9, v8;
	v9 =	vld [tilespmem:s21+$0xD000]  }
0xec: {  	v3 =	vadd.f32 v4, v3;
	v4 =	vadd.f32 v6, v5;
	v5 =	vld [tilespmem:s21+$0xD080]  }
0xed: {  	v6 =	vadd.f32 v7, v8;
	v7 =	vadd.f32 v11, v10;
	_ =	sdelay $0x1  }
0xee: {  	v3 =	vadd.f32 v4, v3;
	v6 =	vadd.f32 v7, v6;
	_ =	sdelay $0x1  }
0xef: {  	v3 =	vadd.f32 v3, v6;
	v4 =	vadd.f32 v5, v9;
	_ =	sdelay $0x1  }
0xf0: {  	v3 =	vadd.f32 v3, v4;
	_ =	sdelay $0x1  }
0xf1: {  	s22 =	sadd.s32 $0x80, s22;
	v3 =	vmul.f32 $1.999999960e-02, v3  }
0xf2: {  	s20 =	sadd.s32 $0x10, s20;
	s24 =	sand.u32 $0x1C00, s22;
	s21 =	sand.u32 $0x70, s23  }
0xf3: {  	s21 =	sor.u32 s21, s24;
	[tilespmem:s20+$0x0] =	vst v3  }
0xf4: {  	v3 =	vld [tilespmem:s21+$0xB000]  }
0xf5: {  	v4 =	vld [tilespmem:s21+$0xB200]  }
0xf6: {  	v5 =	vld [tilespmem:s21+$0xB100]  }
0xf7: {  	v6 =	vld [tilespmem:s21+$0xB300]  }
0xf8: {  	v16 =	vld [tilespmem:s21+$0xB080]  }
0xf9: {  	v17 =	vld [tilespmem:s21+$0xB280]  }
0xfa: {  	v20 =	vld [tilespmem:s21+$0xB180]  }
0xfb: {  	v23 =	vld [tilespmem:s21+$0xB380]  }
0xfc: {  	v33 =	vld [tilespmem:s21+$0x9000]  }
0xfd: {  	v34 =	vld [tilespmem:s21+$0x9200]  }
0xfe: {  	v37 =	vld [tilespmem:s21+$0x9100]  }
0xff: {  	v38 =	vld [tilespmem:s21+$0x9300]  }
0x100: {  	v39 =	vld [tilespmem:s21+$0x9080]  }
0x101: {  	v40 =	vld [tilespmem:s21+$0x9280]  }
0x102: {  	v41 =	vld [tilespmem:s21+$0x9180]  }
0x103: {  	v42 =	vld [tilespmem:s21+$0x9380]  }
0x104: {  	v43 =	vld [tilespmem:s21+$0x7000]  }
0x105: {  	v44 =	vld [tilespmem:s21+$0x7200]  }
0x106: {  	v45 =	vld [tilespmem:s21+$0x7100]  }
0x107: {  	v46 =	vld [tilespmem:s21+$0x7300]  }
0x108: {  	v7 =	vld [tilespmem:s21+$0x7080]  }
0x109: {  	v8 =	vld [tilespmem:s21+$0x7280]  }
0x10a: {  	v9 =	vld [tilespmem:s21+$0x7180]  }
0x10b: {  	v11 =	vld [tilespmem:s21+$0x7380]  }
0x10c: {  	v10 =	vld [tilespmem:s21+$0x5000]  }
0x10d: {  	v12 =	vld [tilespmem:s21+$0x5200]  }
0x10e: {  	v13 =	vld [tilespmem:s21+$0x5100]  }
0x10f: {  	v14 =	vld [tilespmem:s21+$0x5300]  }
0x110: {  	v15 =	vld [tilespmem:s21+$0x5080]  }
0x111: {  	v18 =	vld [tilespmem:s21+$0x5280]  }
0x112: {  	v19 =	vld [tilespmem:s21+$0x5180]  }
0x113: {  	v21 =	vld [tilespmem:s21+$0x5380]  }
0x114: {  	v22 =	vld [tilespmem:s21+$0x1200]  }
0x115: {  	v24 =	vld [tilespmem:s21+$0x1000]  }
0x116: {  	v25 =	vld [tilespmem:s21+$0x1100]  }
0x117: {  	v26 =	vld [tilespmem:s21+$0x1300]  }
0x118: {  	v27 =	vld [tilespmem:s21+$0x1080]  }
0x119: {  	v28 =	vld [tilespmem:s21+$0x1280]  }
0x11a: {  	v29 =	vld [tilespmem:s21+$0x1180]  }
0x11b: {  	v30 =	vld [tilespmem:s21+$0x1380]  }
0x11c: {  	v31 =	vld [tilespmem:s21+$0x3000]  }
.Ltmp0:
0x11d: {  	v3 =	vadd.f32 v4, v3;
	v4 =	vadd.f32 v6, v5;
	v32 =	vld [tilespmem:s21+$0x3200];
	(pc) =	sbr.rel @p0 .LBB2_3-.Ltmp0, $4  }
0x11e: {  	v5 =	vadd.f32 v17, v16;
	v6 =	vadd.f32 v23, v20;
	v35 =	vld [tilespmem:s21+$0x3100]  }
0x11f: {  	v16 =	vadd.f32 v34, v33;
	v17 =	vadd.f32 v38, v37;
	v36 =	vld [tilespmem:s21+$0x3300]  }
0x120: {  	v20 =	vadd.f32 v40, v39;
	v23 =	vadd.f32 v42, v41;
	v37 =	vld [tilespmem:s21+$0x3080]  }
0x121: {  	s23 =	sadd.s32 $0x10, s23;
	v33 =	vadd.f32 v44, v43;
	v34 =	vadd.f32 v46, v45;
	v38 =	vld [tilespmem:s21+$0x3280]  }
0x122: {  	v39 =	vld [tilespmem:s21+$0x3180];
	v7 =	vadd.f32 v8, v7;
	v61 =	vadd.f32 v11, v9  }
0x123: {  	v62 =	vld [tilespmem:s21+$0x3380];
	v10 =	vadd.f32 v12, v10;
	v63 =	vadd.f32 v14, v13  }
0x124: {  	v40 =	vadd.f32 v18, v15;
	v41 =	vadd.f32 v21, v19  }
0x125: {  	v42 =	vadd.f32 v22, v24;
	v43 =	vadd.f32 v26, v25  }
0x126: {  	v44 =	vadd.f32 v28, v27;
	v45 =	vadd.f32 v30, v29  }
0x127: {  	v46 =	vadd.f32 v32, v31;
	v47 =	vadd.f32 v36, v35  }
0x128: {  	v48 =	vadd.f32 v38, v37;
	v9 =	vadd.f32 v62, v39  }
0x129: {  	v14 =	vadd.f32 v43, v42;
	v49 =	vadd.f32 v45, v44  }
0x12a: {  	v50 =	vadd.f32 v47, v46;
	v9 =	vadd.f32 v9, v48  }
0x12b: {  	v10 =	vadd.f32 v63, v10;
	v51 =	vadd.f32 v41, v40  }
0x12c: {  	v52 =	vadd.f32 v49, v14;
	v9 =	vadd.f32 v9, v50  }
0x12d: {  	v53 =	vadd.f32 v34, v33;
	v7 =	vadd.f32 v61, v7  }
0x12e: {  	v55 =	vadd.f32 v51, v10;
	v54 =	vadd.f32 v9, v52  }
0x12f: {  	v56 =	vadd.f32 v17, v16;
	v57 =	vadd.f32 v23, v20  }
0x130: {  	v58 =	vld [tilespmem:s21+$0xD000];
	v7 =	vadd.f32 v7, v53;
	v8 =	vadd.f32 v55, v54  }
0x131: {  	v3 =	vadd.f32 v4, v3;
	v59 =	vadd.f32 v6, v5;
	v60 =	vld [tilespmem:s21+$0xD080]  }
0x132: {  	v62 =	vadd.f32 v57, v56;
	v61 =	vadd.f32 v7, v8;
	_ =	sdelay $0x1  }
0x133: {  	v3 =	vadd.f32 v59, v3;
	v6 =	vadd.f32 v62, v61;
	_ =	sdelay $0x1  }
0x134: {  	v63 =	vadd.f32 v60, v58;
	v3 =	vadd.f32 v3, v6;
	_ =	sdelay $0x1  }
0x135: {  	v3 =	vadd.f32 v3, v63  }
0x136: {  	s19 =	sand.u32 $0xC00, s19  }
0x137: {  	s24 =	sshll.u32 s18, $0x4;
	s20 =	sadd.s32 $0x10, s20;
	s18 =	sadd.s32 $0x1, s18;
	v3 =	vmul.f32 $1.999999960e-02, v3  }
0x138: {  	s21 =	sand.u32 $0x70, s24;
	s19 =	sadd.s32 s19, s8;
	p0 =	sne.s32 s18, $0x20  }
.Ltmp1:
0x139: {  	s19 =	sadd.s32 s21, s19;
	[tilespmem:s20+$0x0] =	vst v3;
	(pc) =	sbr.rel @p0 .LBB2_2-.Ltmp1, $4  }
0x13a: {  	[hbm4b:s19+s15] =	stream.strided.scatter [tilespmem:s17], [sflag:$0x2], $0x400, s16, s15, $0x38;
	[tilespmem:$0xF400] =	vst v63  }
0x13b: {  	_ =	swait.ge [sflag:s10], $0x400  }
0x13c: {  	[sflag:s10] =	ssyncset.done $0x0  }
0x13d: {  	[sflag:s10] =	ssyncadd.s32 $0xFFFFFC00  }
0x13e: {  	s19 =	rddreg [dreg:$0x5]  }
0x13f: {  	s18 =	rddreg [dreg:$0x4];
	s19 =	sadd.s32 $0x1, s19  }
0x140: {  	p0 =	sne.s32 s19, s18  }
.Ltmp2:
0x141: {  	_ = 	snop;
	(pc) =	sbr.rel @p0 .LBB2_1-.Ltmp2, $1  }
0x142: {  	_ =	sdelay $0x3  }
0x143: {  	_ =	sfence.sel $0x180000  }
0x144: {  	[bflag:$0x0] =	sbarrier.arrive $0xFFFF  }
0x145: {  	_ =	strace $0x90000047  }
0x146: {  	s0 =	stileid.u32;
	[bflag:$0x2] =	sbarrier.arrive $0xFFFF  }
0x147: {  	p0 =	sne.s32 s0, $0x0;
	s0 =	rddreg [dreg:$0x2]  }
0x148: {  	s0 =	sadd.s32 @!p0 $0x100000, s0  }
0x149: {  	[sflag:s0] =	ssyncadd.tile.s32 @!p0 $0x1;
	_ =	shalt  }
.Lfunc_end2:
_tile_overlayer_lowered:
.L_overlay_start_2:
0x14a: {  	(tag) =	ssettag $0x2  }
0x14b: {  	s0 =	rddreg [dreg:$0x0];
	s2 =	stileid.u32  }
0x14c: {  	s1 =	rddreg [dreg:$0x1];
	p0 =	sne.s32 s2, $0x0  }
0x14d: {  	s3 =	rddreg [dreg:$0x2];
	[bflag:$0x3] =	sbarrier.arrive $0xFFFF;
	s2 =	simm.s32 @!p0 $0x1C02  }
0x14e: {  	[timem:s3], [sflag:s2] =	dma.local @!p0 [hbm:s0], s1  }
0x14f: {  	s0 =	simm.s32 @!p0 $0x2  }
0x150: {  	_ =	swait.ge @!p0 [sflag:s0], s1  }
0x151: {  	s1 =	ssub.s32 @!p0 $0x0, s1;
	[sflag:s0] =	ssyncset.done @!p0 $0x0  }
0x152: {  	[sflag:s0] =	ssyncadd.s32 @!p0 s1  }
0x153: {  	[bflag:$0x3] =	sbarrier.arrive $0xFFFF  }
0x154: {  	_ =	shalt  }

</sc_bundles>
